<compile_context>
chip_gen: v7x
topology: tpu7x:2x2x1
jax: 0.10.2.dev20260603
libtpu: 0.0.44.dev20260713+nightly
codegen_flags: <defaults>
</compile_context>

<pallas_src>
import functools

import jax
import jax.numpy as jnp
from jax import lax
from jax.experimental import pallas as pl
from jax.experimental.pallas import tpu as pltpu
from jax.experimental.pallas import tpu_sc as plsc

_N = 10000
_E = 320000
_D = 128
_C = 10

_NPAD = 10240
_WIN = 128
_NWIN = _E // _WIN
_NTILES = 32
_WBASE = _NWIN // _NTILES
_WEXTRA = _NWIN - _WBASE * _NTILES
_EBASE = _WBASE * _WIN
_CHUNK = _NPAD // 16

_mesh = plsc.VectorSubcoreMesh(core_axis_name="c", subcore_axis_name="s")


def _zero_vmem(buf, n):
    z = jnp.zeros((16,), jnp.float32)
    for i in range(n // 16):
        buf[pl.ds(i * 16, 16)] = z


def _stage(eif, row_base, base_e, gid, dst_f, sem):
    pltpu.async_copy(eif.at[pl.ds(row_base + base_e, _EBASE)],
                     dst_f.at[pl.ds(0, _EBASE)], sem)

    @pl.when(gid < _WEXTRA)
    def _():
        pltpu.async_copy(eif.at[pl.ds(row_base + base_e + _EBASE, _WIN)],
                         dst_f.at[pl.ds(_EBASE, _WIN)], sem)


def _stage_wait(eif, row_base, base_e, gid, dst_f, sem):
    pltpu.make_async_copy(eif.at[pl.ds(row_base + base_e, _EBASE)],
                          dst_f.at[pl.ds(0, _EBASE)], sem).wait()

    @pl.when(gid < _WEXTRA)
    def _():
        pltpu.make_async_copy(
            eif.at[pl.ds(row_base + base_e + _EBASE, _WIN)],
            dst_f.at[pl.ds(_EBASE, _WIN)], sem).wait()


@functools.partial(
    pl.kernel,
    mesh=_mesh,
    out_type=jax.ShapeDtypeStruct((2, _NPAD), jnp.float32),
    scratch_types=[
        pltpu.VMEM((_CHUNK,), jnp.float32),
        pltpu.VMEM((_WIN,), jnp.float32),
        pltpu.VMEM((_EBASE + _WIN,), jnp.int32),
        pltpu.VMEM_SHARED((_NPAD,), jnp.float32),
        pltpu.SemaphoreType.DMA,
        pltpu.SemaphoreType.DMA,
    ],
)
def _deg_kernel(eif, deg_out, zbuf, ones, idxf, deg_sp, semst, sem):
    cid = lax.axis_index("c")
    sid = lax.axis_index("s")
    gid = cid * 16 + sid
    nw = _WBASE + jnp.where(gid < _WEXTRA, 1, 0)
    base_e = (gid * _WBASE + jnp.minimum(gid, _WEXTRA)) * _WIN

    _stage(eif, _E, base_e, gid, idxf, semst)
    _zero_vmem(zbuf, _CHUNK)
    pltpu.sync_copy(zbuf, deg_sp.at[pl.ds(sid * _CHUNK, _CHUNK)])
    for i in range(_WIN // 16):
        ones[pl.ds(i * 16, 16)] = jnp.ones((16,), jnp.float32)
    _stage_wait(eif, _E, base_e, gid, idxf, semst)
    plsc.subcore_barrier()

    def fire(j, c):
        pltpu.async_copy(ones, deg_sp.at[idxf.at[pl.ds(j * _WIN, _WIN)]],
                         sem, add=True)
        return c

    lax.fori_loop(0, nw, fire, 0)

    def drain(j, c):
        pltpu.make_async_copy(ones,
                              deg_sp.at[idxf.at[pl.ds(j * _WIN, _WIN)]],
                              sem).wait()
        return c

    lax.fori_loop(0, nw, drain, 0)

    plsc.subcore_barrier()
    pltpu.sync_copy(deg_sp.at[pl.ds(sid * _CHUNK, _CHUNK)], zbuf)
    pltpu.sync_copy(zbuf, deg_out.at[cid, pl.ds(sid * _CHUNK, _CHUNK)])


@functools.partial(
    pl.kernel,
    mesh=_mesh,
    out_type=jax.ShapeDtypeStruct((2, _NPAD), jnp.float32),
    scratch_types=[
        pltpu.VMEM((_CHUNK,), jnp.float32),
        pltpu.VMEM((_CHUNK,), jnp.float32),
        pltpu.VMEM((_CHUNK,), jnp.float32),
        pltpu.VMEM((_EBASE + _WIN,), jnp.float32),
        pltpu.VMEM((_EBASE + _WIN,), jnp.int32),
        pltpu.VMEM((_EBASE + _WIN,), jnp.int32),
        pltpu.VMEM_SHARED((_NPAD,), jnp.float32),
        pltpu.VMEM_SHARED((_NPAD,), jnp.float32),
        pltpu.SemaphoreType.DMA,
        pltpu.SemaphoreType.DMA,
        pltpu.SemaphoreType.DMA,
        pltpu.SemaphoreType.DMA,
    ],
)
def _coef_kernel(eif, deg_part, coef_out,
                 zb, d0, d1, wtf, idxdf, idxsf, invd_sp, coef_sp,
                 semst, semtb, semg, sems):
    cid = lax.axis_index("c")
    sid = lax.axis_index("s")
    gid = cid * 16 + sid
    nw = _WBASE + jnp.where(gid < _WEXTRA, 1, 0)
    base_e = (gid * _WBASE + jnp.minimum(gid, _WEXTRA)) * _WIN

    _stage(eif, _E, base_e, gid, idxdf, semst)
    _stage(eif, 0, base_e, gid, idxsf, semst)
    pltpu.async_copy(deg_part.at[0, pl.ds(sid * _CHUNK, _CHUNK)], d0, semtb)
    pltpu.async_copy(deg_part.at[1, pl.ds(sid * _CHUNK, _CHUNK)], d1, semtb)

    _zero_vmem(zb, _CHUNK)
    pltpu.sync_copy(zb, coef_sp.at[pl.ds(sid * _CHUNK, _CHUNK)])

    pltpu.make_async_copy(deg_part.at[0, pl.ds(sid * _CHUNK, _CHUNK)],
                          d0, semtb).wait()
    pltpu.make_async_copy(deg_part.at[1, pl.ds(sid * _CHUNK, _CHUNK)],
                          d1, semtb).wait()
    one = jnp.ones((16,), jnp.float32)
    for i in range(_CHUNK // 16):
        s = pl.ds(i * 16, 16)
        d0[s] = one / jnp.maximum(d0[s] + d1[s], one)
    pltpu.sync_copy(d0, invd_sp.at[pl.ds(sid * _CHUNK, _CHUNK)])

    _stage_wait(eif, _E, base_e, gid, idxdf, semst)
    _stage_wait(eif, 0, base_e, gid, idxsf, semst)
    plsc.subcore_barrier()

    def fire_g(j, c):
        pltpu.async_copy(invd_sp.at[idxdf.at[pl.ds(j * _WIN, _WIN)]],
                         wtf.at[pl.ds(j * _WIN, _WIN)], semg)
        return c

    lax.fori_loop(0, nw, fire_g, 0)

    def chain(j, c):
        pltpu.make_async_copy(invd_sp.at[idxdf.at[pl.ds(j * _WIN, _WIN)]],
                              wtf.at[pl.ds(j * _WIN, _WIN)], semg).wait()
        pltpu.async_copy(wtf.at[pl.ds(j * _WIN, _WIN)],
                         coef_sp.at[idxsf.at[pl.ds(j * _WIN, _WIN)]],
                         sems, add=True)
        return c

    lax.fori_loop(0, nw, chain, 0)

    def drain(j, c):
        pltpu.make_async_copy(wtf.at[pl.ds(j * _WIN, _WIN)],
                              coef_sp.at[idxsf.at[pl.ds(j * _WIN, _WIN)]],
                              sems).wait()
        return c

    lax.fori_loop(0, nw, drain, 0)

    plsc.subcore_barrier()
    pltpu.sync_copy(coef_sp.at[pl.ds(sid * _CHUNK, _CHUNK)], zb)
    pltpu.sync_copy(zb, coef_out.at[cid, pl.ds(sid * _CHUNK, _CHUNK)])


def _tc_body(cp_ref, x_ref, w_ref, b_ref, o_ref):
    coef = cp_ref[0:1, :_N] + cp_ref[1:2, :_N]
    v = jnp.dot(coef, x_ref[...], preferred_element_type=jnp.float32)
    csum = jnp.sum(coef)
    o_ref[...] = (jnp.dot(v, w_ref[...], preferred_element_type=jnp.float32)
                  + csum * b_ref[...]) * (1.0 / _N)


def kernel(x, edge_index, W, b):
    eif = edge_index.reshape(2 * _E)
    deg_part = _deg_kernel(eif)
    coef_part = _coef_kernel(eif, deg_part)
    out = pl.pallas_call(
        _tc_body,
        out_shape=jax.ShapeDtypeStruct((1, _C), jnp.float32),
    )(coef_part, x, W, b.reshape(1, _C))
    return out

# --- scband reference (transcript-rebuilt; emitter-appended) ---
"""Pipeline reference for scband-gnnexplainer-test-model-36713380446513 (READ-ONLY COPY).

The authoritative reference and input builder live on the scoring server;
editing this copy changes nothing except your own understanding.
"""

import jax, jax.numpy as jnp
import numpy as np

N = 10000
E = 320000
D = 128
C = 10

def setup_inputs(seed: int = 0) -> dict:
    key = jax.random.key(seed)
    k1, k2, k3, k4 = jax.random.split(key, 4)
    x = jax.random.normal(k1, (N, D), dtype=jnp.float32)
    edge_index = jax.random.randint(k2, (2, E), 0, N, dtype=jnp.int32)
    # Learned params of the single etype's Linear(in_dim=128, num_classes=10)
    W = jax.random.normal(k3, (D, C), dtype=jnp.float32) / jnp.sqrt(D)
    b = jax.random.normal(k4, (C,), dtype=jnp.float32) * 0.01
    return {"x": x, "edge_index": edge_index, "W": W, "b": b}

def reference(x, edge_index, W, b):
    # Single canonical etype ('n0','e0','n0'); eweight=None path.
    src = edge_index[0]
    dst = edge_index[1]
    # wh = Linear(feat[src_type])
    wh = x @ W + b
    # copy_u(wh,'m'), mean('m','h'): mean of incoming messages per dst node
    m = jnp.take(wh, src, axis=0)
    agg = jax.ops.segment_sum(m, dst, num_segments=N)
    deg = jax.ops.segment_sum(jnp.ones((E,), dtype=wh.dtype), dst, num_segments=N)
    h = agg / jnp.maximum(deg, 1.0)[:, None]  # zero in-degree -> 0, like DGL mean
    # hg = dgl.mean_nodes over the single ntype (single-graph batch -> shape [1, C])
    hg = jnp.mean(h, axis=0, keepdims=True)
    return hg

if __name__ == "__main__":
    import jax
    _d = setup_inputs()
    print(jax.jit(kernel)(*tuple(_d.values())))

</pallas_src>

<mosaic_0001>
#map = affine_map<(d0, d1) -> (0)>
#map1 = affine_map<(d0, d1) -> (0, 0)>
module attributes {stable_mosaic.version = 14 : i64} {
  func.func @_coef_kernel(%arg0: i32, %arg1: i32, %arg2: memref<640000xi32, #tpu.memory_space<hbm>>, %arg3: memref<2x10240xf32, #tpu.memory_space<hbm>>, %arg4: memref<2x10240xf32, #tpu.memory_space<hbm>>, %arg5: memref<640xf32, #tpu.memory_space<vmem>>, %arg6: memref<640xf32, #tpu.memory_space<vmem>>, %arg7: memref<640xf32, #tpu.memory_space<vmem>>, %arg8: memref<10112xf32, #tpu.memory_space<vmem>>, %arg9: memref<10112xi32, #tpu.memory_space<vmem>>, %arg10: memref<10112xi32, #tpu.memory_space<vmem>>, %arg11: memref<10240xf32, #tpu.memory_space<vmem_shared>>, %arg12: memref<10240xf32, #tpu.memory_space<vmem_shared>>, %arg13: memref<!tpu.dma_semaphore, #tpu.memory_space<semaphore_mem>>, %arg14: memref<!tpu.dma_semaphore, #tpu.memory_space<semaphore_mem>>, %arg15: memref<!tpu.dma_semaphore, #tpu.memory_space<semaphore_mem>>, %arg16: memref<!tpu.dma_semaphore, #tpu.memory_space<semaphore_mem>>) attributes {dimension_semantics = [#tpu.dimension_semantics<core_parallel>, #tpu.dimension_semantics<subcore_parallel>], iteration_bounds = array<i64: 2, 16>, scalar_prefetch = 0 : i64, scratch_operands = 12 : i64, tpu.core_type = #tpu.core_type<sc_vector_subcore>, window_params = [{transform_indices = #map}, {transform_indices = #map1}, {transform_indices = #map1}]} {
    %mul3A = arith.constant 16 : i32
    %mul3A_0 = arith.muli %arg0, %mul3A : i32
    %add3A = arith.addi %mul3A_0, %arg1 : i32
    %lt3A = arith.constant 4 : i32
    %lt3A_1 = arith.cmpi slt, %add3A, %lt3A : i32
    %jit3A = arith.constant 1 : i32
    %jit3A_2 = arith.constant 0 : i32
    %select_n3A = arith.select %lt3A_1, %jit3A, %jit3A_2 : i32
    %add3A_3 = arith.constant 78 : i32
    %add3A_4 = arith.addi %add3A_3, %select_n3A : i32
    %mul3A_5 = arith.constant 78 : i32
    %mul3A_6 = arith.muli %add3A, %mul3A_5 : i32
    %min3A = arith.constant 4 : i32
    %min3A_7 = arith.minsi %add3A, %min3A : i32
    %add3A_8 = arith.addi %mul3A_6, %min3A_7 : i32
    %mul3A_9 = arith.constant 128 : i32
    %mul3A_10 = arith.muli %add3A_8, %mul3A_9 : i32
    %add3A_11 = arith.constant 320000 : i32
    %add3A_12 = arith.addi %add3A_11, %mul3A_10 : i32
    %dma_start3A = arith.constant 0 : i32
    %dma_start3A_13 = tpu.memref_slice %arg9[%dma_start3A] : memref<10112xi32, #tpu.memory_space<vmem>> -> memref<9984xi32, #tpu.memory_space<vmem>>
    %dma_start3A_14 = tpu.memref_slice %arg2[%add3A_12] : memref<640000xi32, #tpu.memory_space<hbm>> -> memref<9984xi32, #tpu.memory_space<hbm>>
    %dma_start3A_15 = arith.constant 0 : i32
    %dma_start3A_16 = tpu.memref_slice %arg9[%dma_start3A_15] : memref<10112xi32, #tpu.memory_space<vmem>> -> memref<9984xi32, #tpu.memory_space<vmem>>
    %dma_start3A_17 = tpu.memref_slice %arg2[%add3A_12] : memref<640000xi32, #tpu.memory_space<hbm>> -> memref<9984xi32, #tpu.memory_space<hbm>>
    tpu.enqueue_dma source(%dma_start3A_17 : memref<9984xi32, #tpu.memory_space<hbm>>) target(%dma_start3A_16 : memref<9984xi32, #tpu.memory_space<vmem>>) target_semaphore(%arg13 : memref<!tpu.dma_semaphore, #tpu.memory_space<semaphore_mem>>)
    %lt3A_18 = arith.constant 4 : i32
    %lt3A_19 = arith.cmpi slt, %add3A, %lt3A_18 : i32
    %convert_element_type3A = arith.extui %lt3A_19 : i1 to i32
    %cond3A = arith.constant 0 : i32
    %cond3A_20 = arith.cmpi ne, %convert_element_type3A, %cond3A : i32
    scf.if %cond3A_20 {
      %add3A_804 = arith.constant 320000 : i32
      %add3A_805 = arith.addi %add3A_804, %mul3A_10 : i32
      %add3A_806 = arith.constant 9984 : i32
      %add3A_807 = arith.addi %add3A_805, %add3A_806 : i32
      %dma_start3A_808 = arith.constant 9984 : i32
      %dma_start3A_809 = tpu.memref_slice %arg9[%dma_start3A_808] : memref<10112xi32, #tpu.memory_space<vmem>> -> memref<128xi32, #tpu.memory_space<vmem>>
      %dma_start3A_810 = tpu.memref_slice %arg2[%add3A_807] : memref<640000xi32, #tpu.memory_space<hbm>> -> memref<128xi32, #tpu.memory_space<hbm>>
      %dma_start3A_811 = arith.constant 9984 : i32
      %dma_start3A_812 = tpu.memref_slice %arg9[%dma_start3A_811] : memref<10112xi32, #tpu.memory_space<vmem>> -> memref<128xi32, #tpu.memory_space<vmem>>
      %dma_start3A_813 = tpu.memref_slice %arg2[%add3A_807] : memref<640000xi32, #tpu.memory_space<hbm>> -> memref<128xi32, #tpu.memory_space<hbm>>
      tpu.enqueue_dma source(%dma_start3A_813 : memref<128xi32, #tpu.memory_space<hbm>>) target(%dma_start3A_812 : memref<128xi32, #tpu.memory_space<vmem>>) target_semaphore(%arg13 : memref<!tpu.dma_semaphore, #tpu.memory_space<semaphore_mem>>)
    } else {
    }
    %add3A_21 = arith.constant 0 : i32
    %add3A_22 = arith.addi %add3A_21, %mul3A_10 : i32
    %dma_start3A_23 = arith.constant 0 : i32
    %dma_start3A_24 = tpu.memref_slice %arg10[%dma_start3A_23] : memref<10112xi32, #tpu.memory_space<vmem>> -> memref<9984xi32, #tpu.memory_space<vmem>>
    %dma_start3A_25 = tpu.memref_slice %arg2[%add3A_22] : memref<640000xi32, #tpu.memory_space<hbm>> -> memref<9984xi32, #tpu.memory_space<hbm>>
    %dma_start3A_26 = arith.constant 0 : i32
    %dma_start3A_27 = tpu.memref_slice %arg10[%dma_start3A_26] : memref<10112xi32, #tpu.memory_space<vmem>> -> memref<9984xi32, #tpu.memory_space<vmem>>
    %dma_start3A_28 = tpu.memref_slice %arg2[%add3A_22] : memref<640000xi32, #tpu.memory_space<hbm>> -> memref<9984xi32, #tpu.memory_space<hbm>>
    tpu.enqueue_dma source(%dma_start3A_28 : memref<9984xi32, #tpu.memory_space<hbm>>) target(%dma_start3A_27 : memref<9984xi32, #tpu.memory_space<vmem>>) target_semaphore(%arg13 : memref<!tpu.dma_semaphore, #tpu.memory_space<semaphore_mem>>)
    %lt3A_29 = arith.constant 4 : i32
    %lt3A_30 = arith.cmpi slt, %add3A, %lt3A_29 : i32
    %convert_element_type3A_31 = arith.extui %lt3A_30 : i1 to i32
    %cond3A_32 = arith.constant 0 : i32
    %cond3A_33 = arith.cmpi ne, %convert_element_type3A_31, %cond3A_32 : i32
    scf.if %cond3A_33 {
      %add3A_804 = arith.constant 0 : i32
      %add3A_805 = arith.addi %add3A_804, %mul3A_10 : i32
      %add3A_806 = arith.constant 9984 : i32
      %add3A_807 = arith.addi %add3A_805, %add3A_806 : i32
      %dma_start3A_808 = arith.constant 9984 : i32
      %dma_start3A_809 = tpu.memref_slice %arg10[%dma_start3A_808] : memref<10112xi32, #tpu.memory_space<vmem>> -> memref<128xi32, #tpu.memory_space<vmem>>
      %dma_start3A_810 = tpu.memref_slice %arg2[%add3A_807] : memref<640000xi32, #tpu.memory_space<hbm>> -> memref<128xi32, #tpu.memory_space<hbm>>
      %dma_start3A_811 = arith.constant 9984 : i32
      %dma_start3A_812 = tpu.memref_slice %arg10[%dma_start3A_811] : memref<10112xi32, #tpu.memory_space<vmem>> -> memref<128xi32, #tpu.memory_space<vmem>>
      %dma_start3A_813 = tpu.memref_slice %arg2[%add3A_807] : memref<640000xi32, #tpu.memory_space<hbm>> -> memref<128xi32, #tpu.memory_space<hbm>>
      tpu.enqueue_dma source(%dma_start3A_813 : memref<128xi32, #tpu.memory_space<hbm>>) target(%dma_start3A_812 : memref<128xi32, #tpu.memory_space<vmem>>) target_semaphore(%arg13 : memref<!tpu.dma_semaphore, #tpu.memory_space<semaphore_mem>>)
    } else {
    }
    %mul3A_34 = arith.constant 640 : i32
    %mul3A_35 = arith.muli %arg1, %mul3A_34 : i32
    %dma_start3A_36 = arith.constant 0 : i32
    %dma_start3A_37 = tpu.memref_slice %arg3[%dma_start3A_36, %mul3A_35] : memref<2x10240xf32, #tpu.memory_space<hbm>> -> memref<1x640xf32, #tpu.memory_space<hbm>>
    %dma_start3A_38 = tpu.memref_squeeze %dma_start3A_37 : memref<1x640xf32, #tpu.memory_space<hbm>> -> memref<640xf32, #tpu.memory_space<hbm>>
    %dma_start3A_39 = tpu.memref_slice %arg3[%dma_start3A_36, %mul3A_35] : memref<2x10240xf32, #tpu.memory_space<hbm>> -> memref<1x640xf32, #tpu.memory_space<hbm>>
    %dma_start3A_40 = tpu.memref_squeeze %dma_start3A_39 : memref<1x640xf32, #tpu.memory_space<hbm>> -> memref<640xf32, #tpu.memory_space<hbm>>
    tpu.enqueue_dma source(%dma_start3A_40 : memref<640xf32, #tpu.memory_space<hbm>>) target(%arg6 : memref<640xf32, #tpu.memory_space<vmem>>) target_semaphore(%arg14 : memref<!tpu.dma_semaphore, #tpu.memory_space<semaphore_mem>>)
    %mul3A_41 = arith.constant 640 : i32
    %mul3A_42 = arith.muli %arg1, %mul3A_41 : i32
    %dma_start3A_43 = arith.constant 1 : i32
    %dma_start3A_44 = tpu.memref_slice %arg3[%dma_start3A_43, %mul3A_42] : memref<2x10240xf32, #tpu.memory_space<hbm>> -> memref<1x640xf32, #tpu.memory_space<hbm>>
    %dma_start3A_45 = tpu.memref_squeeze %dma_start3A_44 : memref<1x640xf32, #tpu.memory_space<hbm>> -> memref<640xf32, #tpu.memory_space<hbm>>
    %dma_start3A_46 = tpu.memref_slice %arg3[%dma_start3A_43, %mul3A_42] : memref<2x10240xf32, #tpu.memory_space<hbm>> -> memref<1x640xf32, #tpu.memory_space<hbm>>
    %dma_start3A_47 = tpu.memref_squeeze %dma_start3A_46 : memref<1x640xf32, #tpu.memory_space<hbm>> -> memref<640xf32, #tpu.memory_space<hbm>>
    tpu.enqueue_dma source(%dma_start3A_47 : memref<640xf32, #tpu.memory_space<hbm>>) target(%arg7 : memref<640xf32, #tpu.memory_space<vmem>>) target_semaphore(%arg14 : memref<!tpu.dma_semaphore, #tpu.memory_space<semaphore_mem>>)
    %broadcast_in_dim3A = arith.constant 0.000000e+00 : f32
    %broadcast_in_dim3A_48 = vector.broadcast %broadcast_in_dim3A : f32 to vector<16xf32>
    %swap3A = arith.constant 0 : index
    %swap3A_49 = tpu.vector_load %arg5[%swap3A] {strides = array<i32>} : memref<640xf32, #tpu.memory_space<vmem>>, vector<16xf32>,
    %swap3A_50 = vector.shape_cast %swap3A_49 : vector<16xf32> to vector<16xf32>
    %swap3A_51 = vector.shape_cast %broadcast_in_dim3A_48 : vector<16xf32> to vector<16xf32>
    tpu.vector_store %arg5[%swap3A], %swap3A_51 {strides = array<i32>} : memref<640xf32, #tpu.memory_space<vmem>>, vector<16xf32>,
    %swap3A_52 = arith.constant 16 : index
    %swap3A_53 = tpu.vector_load %arg5[%swap3A_52] {strides = array<i32>} : memref<640xf32, #tpu.memory_space<vmem>>, vector<16xf32>,
    %swap3A_54 = vector.shape_cast %swap3A_53 : vector<16xf32> to vector<16xf32>
    %swap3A_55 = vector.shape_cast %broadcast_in_dim3A_48 : vector<16xf32> to vector<16xf32>
    tpu.vector_store %arg5[%swap3A_52], %swap3A_55 {strides = array<i32>} : memref<640xf32, #tpu.memory_space<vmem>>, vector<16xf32>,
    %swap3A_56 = arith.constant 32 : index
    %swap3A_57 = tpu.vector_load %arg5[%swap3A_56] {strides = array<i32>} : memref<640xf32, #tpu.memory_space<vmem>>, vector<16xf32>,
    %swap3A_58 = vector.shape_cast %swap3A_57 : vector<16xf32> to vector<16xf32>
    %swap3A_59 = vector.shape_cast %broadcast_in_dim3A_48 : vector<16xf32> to vector<16xf32>
    tpu.vector_store %arg5[%swap3A_56], %swap3A_59 {strides = array<i32>} : memref<640xf32, #tpu.memory_space<vmem>>, vector<16xf32>,
    %swap3A_60 = arith.constant 48 : index
    %swap3A_61 = tpu.vector_load %arg5[%swap3A_60] {strides = array<i32>} : memref<640xf32, #tpu.memory_space<vmem>>, vector<16xf32>,
    %swap3A_62 = vector.shape_cast %swap3A_61 : vector<16xf32> to vector<16xf32>
    %swap3A_63 = vector.shape_cast %broadcast_in_dim3A_48 : vector<16xf32> to vector<16xf32>
    tpu.vector_store %arg5[%swap3A_60], %swap3A_63 {strides = array<i32>} : memref<640xf32, #tpu.memory_space<vmem>>, vector<16xf32>,
    %swap3A_64 = arith.constant 64 : index
    %swap3A_65 = tpu.vector_load %arg5[%swap3A_64] {strides = array<i32>} : memref<640xf32, #tpu.memory_space<vmem>>, vector<16xf32>,
    %swap3A_66 = vector.shape_cast %swap3A_65 : vector<16xf32> to vector<16xf32>
    %swap3A_67 = vector.shape_cast %broadcast_in_dim3A_48 : vector<16xf32> to vector<16xf32>
    tpu.vector_store %arg5[%swap3A_64], %swap3A_67 {strides = array<i32>} : memref<640xf32, #tpu.memory_space<vmem>>, vector<16xf32>,
    %swap3A_68 = arith.constant 80 : index
    %swap3A_69 = tpu.vector_load %arg5[%swap3A_68] {strides = array<i32>} : memref<640xf32, #tpu.memory_space<vmem>>, vector<16xf32>,
    %swap3A_70 = vector.shape_cast %swap3A_69 : vector<16xf32> to vector<16xf32>
    %swap3A_71 = vector.shape_cast %broadcast_in_dim3A_48 : vector<16xf32> to vector<16xf32>
    tpu.vector_store %arg5[%swap3A_68], %swap3A_71 {strides = array<i32>} : memref<640xf32, #tpu.memory_space<vmem>>, vector<16xf32>,
    %swap3A_72 = arith.constant 96 : index
    %swap3A_73 = tpu.vector_load %arg5[%swap3A_72] {strides = array<i32>} : memref<640xf32, #tpu.memory_space<vmem>>, vector<16xf32>,
    %swap3A_74 = vector.shape_cast %swap3A_73 : vector<16xf32> to vector<16xf32>
    %swap3A_75 = vector.shape_cast %broadcast_in_dim3A_48 : vector<16xf32> to vector<16xf32>
    tpu.vector_store %arg5[%swap3A_72], %swap3A_75 {strides = array<i32>} : memref<640xf32, #tpu.memory_space<vmem>>, vector<16xf32>,
    %swap3A_76 = arith.constant 112 : index
    %swap3A_77 = tpu.vector_load %arg5[%swap3A_76] {strides = array<i32>} : memref<640xf32, #tpu.memory_space<vmem>>, vector<16xf32>,
    %swap3A_78 = vector.shape_cast %swap3A_77 : vector<16xf32> to vector<16xf32>
    %swap3A_79 = vector.shape_cast %broadcast_in_dim3A_48 : vector<16xf32> to vector<16xf32>
    tpu.vector_store %arg5[%swap3A_76], %swap3A_79 {strides = array<i32>} : memref<640xf32, #tpu.memory_space<vmem>>, vector<16xf32>,
    %swap3A_80 = arith.constant 128 : index
    %swap3A_81 = tpu.vector_load %arg5[%swap3A_80] {strides = array<i32>} : memref<640xf32, #tpu.memory_space<vmem>>, vector<16xf32>,
    %swap3A_82 = vector.shape_cast %swap3A_81 : vector<16xf32> to vector<16xf32>
    %swap3A_83 = vector.shape_cast %broadcast_in_dim3A_48 : vector<16xf32> to vector<16xf32>
    tpu.vector_store %arg5[%swap3A_80], %swap3A_83 {strides = array<i32>} : memref<640xf32, #tpu.memory_space<vmem>>, vector<16xf32>,
    %swap3A_84 = arith.constant 144 : index
    %swap3A_85 = tpu.vector_load %arg5[%swap3A_84] {strides = array<i32>} : memref<640xf32, #tpu.memory_space<vmem>>, vector<16xf32>,
    %swap3A_86 = vector.shape_cast %swap3A_85 : vector<16xf32> to vector<16xf32>
    %swap3A_87 = vector.shape_cast %broadcast_in_dim3A_48 : vector<16xf32> to vector<16xf32>
    tpu.vector_store %arg5[%swap3A_84], %swap3A_87 {strides = array<i32>} : memref<640xf32, #tpu.memory_space<vmem>>, vector<16xf32>,
    %swap3A_88 = arith.constant 160 : index
    %swap3A_89 = tpu.vector_load %arg5[%swap3A_88] {strides = array<i32>} : memref<640xf32, #tpu.memory_space<vmem>>, vector<16xf32>,
    %swap3A_90 = vector.shape_cast %swap3A_89 : vector<16xf32> to vector<16xf32>
    %swap3A_91 = vector.shape_cast %broadcast_in_dim3A_48 : vector<16xf32> to vector<16xf32>
    tpu.vector_store %arg5[%swap3A_88], %swap3A_91 {strides = array<i32>} : memref<640xf32, #tpu.memory_space<vmem>>, vector<16xf32>,
    %swap3A_92 = arith.constant 176 : index
    %swap3A_93 = tpu.vector_load %arg5[%swap3A_92] {strides = array<i32>} : memref<640xf32, #tpu.memory_space<vmem>>, vector<16xf32>,
    %swap3A_94 = vector.shape_cast %swap3A_93 : vector<16xf32> to vector<16xf32>
    %swap3A_95 = vector.shape_cast %broadcast_in_dim3A_48 : vector<16xf32> to vector<16xf32>
    tpu.vector_store %arg5[%swap3A_92], %swap3A_95 {strides = array<i32>} : memref<640xf32, #tpu.memory_space<vmem>>, vector<16xf32>,
    %swap3A_96 = arith.constant 192 : index
    %swap3A_97 = tpu.vector_load %arg5[%swap3A_96] {strides = array<i32>} : memref<640xf32, #tpu.memory_space<vmem>>, vector<16xf32>,
    %swap3A_98 = vector.shape_cast %swap3A_97 : vector<16xf32> to vector<16xf32>
    %swap3A_99 = vector.shape_cast %broadcast_in_dim3A_48 : vector<16xf32> to vector<16xf32>
    tpu.vector_store %arg5[%swap3A_96], %swap3A_99 {strides = array<i32>} : memref<640xf32, #tpu.memory_space<vmem>>, vector<16xf32>,
    %swap3A_100 = arith.constant 208 : index
    %swap3A_101 = tpu.vector_load %arg5[%swap3A_100] {strides = array<i32>} : memref<640xf32, #tpu.memory_space<vmem>>, vector<16xf32>,
    %swap3A_102 = vector.shape_cast %swap3A_101 : vector<16xf32> to vector<16xf32>
    %swap3A_103 = vector.shape_cast %broadcast_in_dim3A_48 : vector<16xf32> to vector<16xf32>
    tpu.vector_store %arg5[%swap3A_100], %swap3A_103 {strides = array<i32>} : memref<640xf32, #tpu.memory_space<vmem>>, vector<16xf32>,
    %swap3A_104 = arith.constant 224 : index
    %swap3A_105 = tpu.vector_load %arg5[%swap3A_104] {strides = array<i32>} : memref<640xf32, #tpu.memory_space<vmem>>, vector<16xf32>,
    %swap3A_106 = vector.shape_cast %swap3A_105 : vector<16xf32> to vector<16xf32>
    %swap3A_107 = vector.shape_cast %broadcast_in_dim3A_48 : vector<16xf32> to vector<16xf32>
    tpu.vector_store %arg5[%swap3A_104], %swap3A_107 {strides = array<i32>} : memref<640xf32, #tpu.memory_space<vmem>>, vector<16xf32>,
    %swap3A_108 = arith.constant 240 : index
    %swap3A_109 = tpu.vector_load %arg5[%swap3A_108] {strides = array<i32>} : memref<640xf32, #tpu.memory_space<vmem>>, vector<16xf32>,
    %swap3A_110 = vector.shape_cast %swap3A_109 : vector<16xf32> to vector<16xf32>
    %swap3A_111 = vector.shape_cast %broadcast_in_dim3A_48 : vector<16xf32> to vector<16xf32>
    tpu.vector_store %arg5[%swap3A_108], %swap3A_111 {strides = array<i32>} : memref<640xf32, #tpu.memory_space<vmem>>, vector<16xf32>,
    %swap3A_112 = arith.constant 256 : index
    %swap3A_113 = tpu.vector_load %arg5[%swap3A_112] {strides = array<i32>} : memref<640xf32, #tpu.memory_space<vmem>>, vector<16xf32>,
    %swap3A_114 = vector.shape_cast %swap3A_113 : vector<16xf32> to vector<16xf32>
    %swap3A_115 = vector.shape_cast %broadcast_in_dim3A_48 : vector<16xf32> to vector<16xf32>
    tpu.vector_store %arg5[%swap3A_112], %swap3A_115 {strides = array<i32>} : memref<640xf32, #tpu.memory_space<vmem>>, vector<16xf32>,
    %swap3A_116 = arith.constant 272 : index
    %swap3A_117 = tpu.vector_load %arg5[%swap3A_116] {strides = array<i32>} : memref<640xf32, #tpu.memory_space<vmem>>, vector<16xf32>,
    %swap3A_118 = vector.shape_cast %swap3A_117 : vector<16xf32> to vector<16xf32>
    %swap3A_119 = vector.shape_cast %broadcast_in_dim3A_48 : vector<16xf32> to vector<16xf32>
    tpu.vector_store %arg5[%swap3A_116], %swap3A_119 {strides = array<i32>} : memref<640xf32, #tpu.memory_space<vmem>>, vector<16xf32>,
    %swap3A_120 = arith.constant 288 : index
    %swap3A_121 = tpu.vector_load %arg5[%swap3A_120] {strides = array<i32>} : memref<640xf32, #tpu.memory_space<vmem>>, vector<16xf32>,
    %swap3A_122 = vector.shape_cast %swap3A_121 : vector<16xf32> to vector<16xf32>
    %swap3A_123 = vector.shape_cast %broadcast_in_dim3A_48 : vector<16xf32> to vector<16xf32>
    tpu.vector_store %arg5[%swap3A_120], %swap3A_123 {strides = array<i32>} : memref<640xf32, #tpu.memory_space<vmem>>, vector<16xf32>,
    %swap3A_124 = arith.constant 304 : index
    %swap3A_125 = tpu.vector_load %arg5[%swap3A_124] {strides = array<i32>} : memref<640xf32, #tpu.memory_space<vmem>>, vector<16xf32>,
    %swap3A_126 = vector.shape_cast %swap3A_125 : vector<16xf32> to vector<16xf32>
    %swap3A_127 = vector.shape_cast %broadcast_in_dim3A_48 : vector<16xf32> to vector<16xf32>
    tpu.vector_store %arg5[%swap3A_124], %swap3A_127 {strides = array<i32>} : memref<640xf32, #tpu.memory_space<vmem>>, vector<16xf32>,
    %swap3A_128 = arith.constant 320 : index
    %swap3A_129 = tpu.vector_load %arg5[%swap3A_128] {strides = array<i32>} : memref<640xf32, #tpu.memory_space<vmem>>, vector<16xf32>,
    %swap3A_130 = vector.shape_cast %swap3A_129 : vector<16xf32> to vector<16xf32>
    %swap3A_131 = vector.shape_cast %broadcast_in_dim3A_48 : vector<16xf32> to vector<16xf32>
    tpu.vector_store %arg5[%swap3A_128], %swap3A_131 {strides = array<i32>} : memref<640xf32, #tpu.memory_space<vmem>>, vector<16xf32>,
    %swap3A_132 = arith.constant 336 : index
    %swap3A_133 = tpu.vector_load %arg5[%swap3A_132] {strides = array<i32>} : memref<640xf32, #tpu.memory_space<vmem>>, vector<16xf32>,
    %swap3A_134 = vector.shape_cast %swap3A_133 : vector<16xf32> to vector<16xf32>
    %swap3A_135 = vector.shape_cast %broadcast_in_dim3A_48 : vector<16xf32> to vector<16xf32>
    tpu.vector_store %arg5[%swap3A_132], %swap3A_135 {strides = array<i32>} : memref<640xf32, #tpu.memory_space<vmem>>, vector<16xf32>,
    %swap3A_136 = arith.constant 352 : index
    %swap3A_137 = tpu.vector_load %arg5[%swap3A_136] {strides = array<i32>} : memref<640xf32, #tpu.memory_space<vmem>>, vector<16xf32>,
    %swap3A_138 = vector.shape_cast %swap3A_137 : vector<16xf32> to vector<16xf32>
    %swap3A_139 = vector.shape_cast %broadcast_in_dim3A_48 : vector<16xf32> to vector<16xf32>
    tpu.vector_store %arg5[%swap3A_136], %swap3A_139 {strides = array<i32>} : memref<640xf32, #tpu.memory_space<vmem>>, vector<16xf32>,
    %swap3A_140 = arith.constant 368 : index
    %swap3A_141 = tpu.vector_load %arg5[%swap3A_140] {strides = array<i32>} : memref<640xf32, #tpu.memory_space<vmem>>, vector<16xf32>,
    %swap3A_142 = vector.shape_cast %swap3A_141 : vector<16xf32> to vector<16xf32>
    %swap3A_143 = vector.shape_cast %broadcast_in_dim3A_48 : vector<16xf32> to vector<16xf32>
    tpu.vector_store %arg5[%swap3A_140], %swap3A_143 {strides = array<i32>} : memref<640xf32, #tpu.memory_space<vmem>>, vector<16xf32>,
    %swap3A_144 = arith.constant 384 : index
    %swap3A_145 = tpu.vector_load %arg5[%swap3A_144] {strides = array<i32>} : memref<640xf32, #tpu.memory_space<vmem>>, vector<16xf32>,
    %swap3A_146 = vector.shape_cast %swap3A_145 : vector<16xf32> to vector<16xf32>
    %swap3A_147 = vector.shape_cast %broadcast_in_dim3A_48 : vector<16xf32> to vector<16xf32>
    tpu.vector_store %arg5[%swap3A_144], %swap3A_147 {strides = array<i32>} : memref<640xf32, #tpu.memory_space<vmem>>, vector<16xf32>,
    %swap3A_148 = arith.constant 400 : index
    %swap3A_149 = tpu.vector_load %arg5[%swap3A_148] {strides = array<i32>} : memref<640xf32, #tpu.memory_space<vmem>>, vector<16xf32>,
    %swap3A_150 = vector.shape_cast %swap3A_149 : vector<16xf32> to vector<16xf32>
    %swap3A_151 = vector.shape_cast %broadcast_in_dim3A_48 : vector<16xf32> to vector<16xf32>
    tpu.vector_store %arg5[%swap3A_148], %swap3A_151 {strides = array<i32>} : memref<640xf32, #tpu.memory_space<vmem>>, vector<16xf32>,
    %swap3A_152 = arith.constant 416 : index
    %swap3A_153 = tpu.vector_load %arg5[%swap3A_152] {strides = array<i32>} : memref<640xf32, #tpu.memory_space<vmem>>, vector<16xf32>,
    %swap3A_154 = vector.shape_cast %swap3A_153 : vector<16xf32> to vector<16xf32>
    %swap3A_155 = vector.shape_cast %broadcast_in_dim3A_48 : vector<16xf32> to vector<16xf32>
    tpu.vector_store %arg5[%swap3A_152], %swap3A_155 {strides = array<i32>} : memref<640xf32, #tpu.memory_space<vmem>>, vector<16xf32>,
    %swap3A_156 = arith.constant 432 : index
    %swap3A_157 = tpu.vector_load %arg5[%swap3A_156] {strides = array<i32>} : memref<640xf32, #tpu.memory_space<vmem>>, vector<16xf32>,
    %swap3A_158 = vector.shape_cast %swap3A_157 : vector<16xf32> to vector<16xf32>
    %swap3A_159 = vector.shape_cast %broadcast_in_dim3A_48 : vector<16xf32> to vector<16xf32>
    tpu.vector_store %arg5[%swap3A_156], %swap3A_159 {strides = array<i32>} : memref<640xf32, #tpu.memory_space<vmem>>, vector<16xf32>,
    %swap3A_160 = arith.constant 448 : index
    %swap3A_161 = tpu.vector_load %arg5[%swap3A_160] {strides = array<i32>} : memref<640xf32, #tpu.memory_space<vmem>>, vector<16xf32>,
    %swap3A_162 = vector.shape_cast %swap3A_161 : vector<16xf32> to vector<16xf32>
    %swap3A_163 = vector.shape_cast %broadcast_in_dim3A_48 : vector<16xf32> to vector<16xf32>
    tpu.vector_store %arg5[%swap3A_160], %swap3A_163 {strides = array<i32>} : memref<640xf32, #tpu.memory_space<vmem>>, vector<16xf32>,
    %swap3A_164 = arith.constant 464 : index
    %swap3A_165 = tpu.vector_load %arg5[%swap3A_164] {strides = array<i32>} : memref<640xf32, #tpu.memory_space<vmem>>, vector<16xf32>,
    %swap3A_166 = vector.shape_cast %swap3A_165 : vector<16xf32> to vector<16xf32>
    %swap3A_167 = vector.shape_cast %broadcast_in_dim3A_48 : vector<16xf32> to vector<16xf32>
    tpu.vector_store %arg5[%swap3A_164], %swap3A_167 {strides = array<i32>} : memref<640xf32, #tpu.memory_space<vmem>>, vector<16xf32>,
    %swap3A_168 = arith.constant 480 : index
    %swap3A_169 = tpu.vector_load %arg5[%swap3A_168] {strides = array<i32>} : memref<640xf32, #tpu.memory_space<vmem>>, vector<16xf32>,
    %swap3A_170 = vector.shape_cast %swap3A_169 : vector<16xf32> to vector<16xf32>
    %swap3A_171 = vector.shape_cast %broadcast_in_dim3A_48 : vector<16xf32> to vector<16xf32>
    tpu.vector_store %arg5[%swap3A_168], %swap3A_171 {strides = array<i32>} : memref<640xf32, #tpu.memory_space<vmem>>, vector<16xf32>,
    %swap3A_172 = arith.constant 496 : index
    %swap3A_173 = tpu.vector_load %arg5[%swap3A_172] {strides = array<i32>} : memref<640xf32, #tpu.memory_space<vmem>>, vector<16xf32>,
    %swap3A_174 = vector.shape_cast %swap3A_173 : vector<16xf32> to vector<16xf32>
    %swap3A_175 = vector.shape_cast %broadcast_in_dim3A_48 : vector<16xf32> to vector<16xf32>
    tpu.vector_store %arg5[%swap3A_172], %swap3A_175 {strides = array<i32>} : memref<640xf32, #tpu.memory_space<vmem>>, vector<16xf32>,
    %swap3A_176 = arith.constant 512 : index
    %swap3A_177 = tpu.vector_load %arg5[%swap3A_176] {strides = array<i32>} : memref<640xf32, #tpu.memory_space<vmem>>, vector<16xf32>,
    %swap3A_178 = vector.shape_cast %swap3A_177 : vector<16xf32> to vector<16xf32>
    %swap3A_179 = vector.shape_cast %broadcast_in_dim3A_48 : vector<16xf32> to vector<16xf32>
    tpu.vector_store %arg5[%swap3A_176], %swap3A_179 {strides = array<i32>} : memref<640xf32, #tpu.memory_space<vmem>>, vector<16xf32>,
    %swap3A_180 = arith.constant 528 : index
    %swap3A_181 = tpu.vector_load %arg5[%swap3A_180] {strides = array<i32>} : memref<640xf32, #tpu.memory_space<vmem>>, vector<16xf32>,
    %swap3A_182 = vector.shape_cast %swap3A_181 : vector<16xf32> to vector<16xf32>
    %swap3A_183 = vector.shape_cast %broadcast_in_dim3A_48 : vector<16xf32> to vector<16xf32>
    tpu.vector_store %arg5[%swap3A_180], %swap3A_183 {strides = array<i32>} : memref<640xf32, #tpu.memory_space<vmem>>, vector<16xf32>,
    %swap3A_184 = arith.constant 544 : index
    %swap3A_185 = tpu.vector_load %arg5[%swap3A_184] {strides = array<i32>} : memref<640xf32, #tpu.memory_space<vmem>>, vector<16xf32>,
    %swap3A_186 = vector.shape_cast %swap3A_185 : vector<16xf32> to vector<16xf32>
    %swap3A_187 = vector.shape_cast %broadcast_in_dim3A_48 : vector<16xf32> to vector<16xf32>
    tpu.vector_store %arg5[%swap3A_184], %swap3A_187 {strides = array<i32>} : memref<640xf32, #tpu.memory_space<vmem>>, vector<16xf32>,
    %swap3A_188 = arith.constant 560 : index
    %swap3A_189 = tpu.vector_load %arg5[%swap3A_188] {strides = array<i32>} : memref<640xf32, #tpu.memory_space<vmem>>, vector<16xf32>,
    %swap3A_190 = vector.shape_cast %swap3A_189 : vector<16xf32> to vector<16xf32>
    %swap3A_191 = vector.shape_cast %broadcast_in_dim3A_48 : vector<16xf32> to vector<16xf32>
    tpu.vector_store %arg5[%swap3A_188], %swap3A_191 {strides = array<i32>} : memref<640xf32, #tpu.memory_space<vmem>>, vector<16xf32>,
    %swap3A_192 = arith.constant 576 : index
    %swap3A_193 = tpu.vector_load %arg5[%swap3A_192] {strides = array<i32>} : memref<640xf32, #tpu.memory_space<vmem>>, vector<16xf32>,
    %swap3A_194 = vector.shape_cast %swap3A_193 : vector<16xf32> to vector<16xf32>
    %swap3A_195 = vector.shape_cast %broadcast_in_dim3A_48 : vector<16xf32> to vector<16xf32>
    tpu.vector_store %arg5[%swap3A_192], %swap3A_195 {strides = array<i32>} : memref<640xf32, #tpu.memory_space<vmem>>, vector<16xf32>,
    %swap3A_196 = arith.constant 592 : index
    %swap3A_197 = tpu.vector_load %arg5[%swap3A_196] {strides = array<i32>} : memref<640xf32, #tpu.memory_space<vmem>>, vector<16xf32>,
    %swap3A_198 = vector.shape_cast %swap3A_197 : vector<16xf32> to vector<16xf32>
    %swap3A_199 = vector.shape_cast %broadcast_in_dim3A_48 : vector<16xf32> to vector<16xf32>
    tpu.vector_store %arg5[%swap3A_196], %swap3A_199 {strides = array<i32>} : memref<640xf32, #tpu.memory_space<vmem>>, vector<16xf32>,
    %swap3A_200 = arith.constant 608 : index
    %swap3A_201 = tpu.vector_load %arg5[%swap3A_200] {strides = array<i32>} : memref<640xf32, #tpu.memory_space<vmem>>, vector<16xf32>,
    %swap3A_202 = vector.shape_cast %swap3A_201 : vector<16xf32> to vector<16xf32>
    %swap3A_203 = vector.shape_cast %broadcast_in_dim3A_48 : vector<16xf32> to vector<16xf32>
    tpu.vector_store %arg5[%swap3A_200], %swap3A_203 {strides = array<i32>} : memref<640xf32, #tpu.memory_space<vmem>>, vector<16xf32>,
    %swap3A_204 = arith.constant 624 : index
    %swap3A_205 = tpu.vector_load %arg5[%swap3A_204] {strides = array<i32>} : memref<640xf32, #tpu.memory_space<vmem>>, vector<16xf32>,
    %swap3A_206 = vector.shape_cast %swap3A_205 : vector<16xf32> to vector<16xf32>
    %swap3A_207 = vector.shape_cast %broadcast_in_dim3A_48 : vector<16xf32> to vector<16xf32>
    tpu.vector_store %arg5[%swap3A_204], %swap3A_207 {strides = array<i32>} : memref<640xf32, #tpu.memory_space<vmem>>, vector<16xf32>,
    %mul3A_208 = arith.constant 640 : i32
    %mul3A_209 = arith.muli %arg1, %mul3A_208 : i32
    "tpu.region"() ({
      %run_scoped3A = tpu.sem_alloc : memref<!tpu.dma_semaphore, #tpu.memory_space<semaphore_mem>>
      %dma_start3A_804 = tpu.memref_slice %arg12[%mul3A_209] : memref<10240xf32, #tpu.memory_space<vmem_shared>> -> memref<640xf32, #tpu.memory_space<vmem_shared>>
      %dma_start3A_805 = tpu.memref_slice %arg12[%mul3A_209] : memref<10240xf32, #tpu.memory_space<vmem_shared>> -> memref<640xf32, #tpu.memory_space<vmem_shared>>
      tpu.enqueue_dma source(%arg5 : memref<640xf32, #tpu.memory_space<vmem>>) target(%dma_start3A_805 : memref<640xf32, #tpu.memory_space<vmem_shared>>) target_semaphore(%run_scoped3A : memref<!tpu.dma_semaphore, #tpu.memory_space<semaphore_mem>>)
      %dma_wait3A_806 = tpu.memref_slice %arg12[%mul3A_209] : memref<10240xf32, #tpu.memory_space<vmem_shared>> -> memref<640xf32, #tpu.memory_space<vmem_shared>>
      %dma_wait3A_807 = tpu.memref_slice %arg12[%mul3A_209] : memref<10240xf32, #tpu.memory_space<vmem_shared>> -> memref<640xf32, #tpu.memory_space<vmem_shared>>
      tpu.wait_dma2 semaphore(%run_scoped3A : memref<!tpu.dma_semaphore, #tpu.memory_space<semaphore_mem>>) src(%arg5 : memref<640xf32, #tpu.memory_space<vmem>>) dst(%dma_wait3A_807 : memref<640xf32, #tpu.memory_space<vmem_shared>>)
      tpu.yield
    }) : () -> ()
    %mul3A_210 = arith.constant 640 : i32
    %mul3A_211 = arith.muli %arg1, %mul3A_210 : i32
    %dma_wait3A = arith.constant 0 : i32
    %dma_wait3A_212 = tpu.memref_slice %arg3[%dma_wait3A, %mul3A_211] : memref<2x10240xf32, #tpu.memory_space<hbm>> -> memref<1x640xf32, #tpu.memory_space<hbm>>
    %dma_wait3A_213 = tpu.memref_squeeze %dma_wait3A_212 : memref<1x640xf32, #tpu.memory_space<hbm>> -> memref<640xf32, #tpu.memory_space<hbm>>
    %dma_wait3A_214 = tpu.memref_slice %arg3[%dma_wait3A, %mul3A_211] : memref<2x10240xf32, #tpu.memory_space<hbm>> -> memref<1x640xf32, #tpu.memory_space<hbm>>
    %dma_wait3A_215 = tpu.memref_squeeze %dma_wait3A_214 : memref<1x640xf32, #tpu.memory_space<hbm>> -> memref<640xf32, #tpu.memory_space<hbm>>
    tpu.wait_dma2 semaphore(%arg14 : memref<!tpu.dma_semaphore, #tpu.memory_space<semaphore_mem>>) src(%dma_wait3A_215 : memref<640xf32, #tpu.memory_space<hbm>>) dst(%arg6 : memref<640xf32, #tpu.memory_space<vmem>>)
    %mul3A_216 = arith.constant 640 : i32
    %mul3A_217 = arith.muli %arg1, %mul3A_216 : i32
    %dma_wait3A_218 = arith.constant 1 : i32
    %dma_wait3A_219 = tpu.memref_slice %arg3[%dma_wait3A_218, %mul3A_217] : memref<2x10240xf32, #tpu.memory_space<hbm>> -> memref<1x640xf32, #tpu.memory_space<hbm>>
    %dma_wait3A_220 = tpu.memref_squeeze %dma_wait3A_219 : memref<1x640xf32, #tpu.memory_space<hbm>> -> memref<640xf32, #tpu.memory_space<hbm>>
    %dma_wait3A_221 = tpu.memref_slice %arg3[%dma_wait3A_218, %mul3A_217] : memref<2x10240xf32, #tpu.memory_space<hbm>> -> memref<1x640xf32, #tpu.memory_space<hbm>>
    %dma_wait3A_222 = tpu.memref_squeeze %dma_wait3A_221 : memref<1x640xf32, #tpu.memory_space<hbm>> -> memref<640xf32, #tpu.memory_space<hbm>>
    tpu.wait_dma2 semaphore(%arg14 : memref<!tpu.dma_semaphore, #tpu.memory_space<semaphore_mem>>) src(%dma_wait3A_222 : memref<640xf32, #tpu.memory_space<hbm>>) dst(%arg7 : memref<640xf32, #tpu.memory_space<vmem>>)
    %broadcast_in_dim3A_223 = arith.constant 1.000000e+00 : f32
    %broadcast_in_dim3A_224 = vector.broadcast %broadcast_in_dim3A_223 : f32 to vector<16xf32>
    %get3A = arith.constant 0 : index
    %get3A_225 = tpu.vector_load %arg6[%get3A] {strides = array<i32>} : memref<640xf32, #tpu.memory_space<vmem>>, vector<16xf32>,
    %get3A_226 = vector.shape_cast %get3A_225 : vector<16xf32> to vector<16xf32>
    %get3A_227 = arith.constant 0 : index
    %get3A_228 = tpu.vector_load %arg7[%get3A_227] {strides = array<i32>} : memref<640xf32, #tpu.memory_space<vmem>>, vector<16xf32>,
    %get3A_229 = vector.shape_cast %get3A_228 : vector<16xf32> to vector<16xf32>
    %add3A_230 = arith.addf %get3A_226, %get3A_229 : vector<16xf32>
    %max3A = arith.maximumf %add3A_230, %broadcast_in_dim3A_224 : vector<16xf32>
    %div3A = arith.divf %broadcast_in_dim3A_224, %max3A : vector<16xf32>
    %swap3A_231 = arith.constant 0 : index
    %swap3A_232 = tpu.vector_load %arg6[%swap3A_231] {strides = array<i32>} : memref<640xf32, #tpu.memory_space<vmem>>, vector<16xf32>,
    %swap3A_233 = vector.shape_cast %swap3A_232 : vector<16xf32> to vector<16xf32>
    %swap3A_234 = vector.shape_cast %div3A : vector<16xf32> to vector<16xf32>
    tpu.vector_store %arg6[%swap3A_231], %swap3A_234 {strides = array<i32>} : memref<640xf32, #tpu.memory_space<vmem>>, vector<16xf32>,
    %get3A_235 = arith.constant 16 : index
    %get3A_236 = tpu.vector_load %arg6[%get3A_235] {strides = array<i32>} : memref<640xf32, #tpu.memory_space<vmem>>, vector<16xf32>,
    %get3A_237 = vector.shape_cast %get3A_236 : vector<16xf32> to vector<16xf32>
    %get3A_238 = arith.constant 16 : index
    %get3A_239 = tpu.vector_load %arg7[%get3A_238] {strides = array<i32>} : memref<640xf32, #tpu.memory_space<vmem>>, vector<16xf32>,
    %get3A_240 = vector.shape_cast %get3A_239 : vector<16xf32> to vector<16xf32>
    %add3A_241 = arith.addf %get3A_237, %get3A_240 : vector<16xf32>
    %max3A_242 = arith.maximumf %add3A_241, %broadcast_in_dim3A_224 : vector<16xf32>
    %div3A_243 = arith.divf %broadcast_in_dim3A_224, %max3A_242 : vector<16xf32>
    %swap3A_244 = arith.constant 16 : index
    %swap3A_245 = tpu.vector_load %arg6[%swap3A_244] {strides = array<i32>} : memref<640xf32, #tpu.memory_space<vmem>>, vector<16xf32>,
    %swap3A_246 = vector.shape_cast %swap3A_245 : vector<16xf32> to vector<16xf32>
    %swap3A_247 = vector.shape_cast %div3A_243 : vector<16xf32> to vector<16xf32>
    tpu.vector_store %arg6[%swap3A_244], %swap3A_247 {strides = array<i32>} : memref<640xf32, #tpu.memory_space<vmem>>, vector<16xf32>,
    %get3A_248 = arith.constant 32 : index
    %get3A_249 = tpu.vector_load %arg6[%get3A_248] {strides = array<i32>} : memref<640xf32, #tpu.memory_space<vmem>>, vector<16xf32>,
    %get3A_250 = vector.shape_cast %get3A_249 : vector<16xf32> to vector<16xf32>
    %get3A_251 = arith.constant 32 : index
    %get3A_252 = tpu.vector_load %arg7[%get3A_251] {strides = array<i32>} : memref<640xf32, #tpu.memory_space<vmem>>, vector<16xf32>,
    %get3A_253 = vector.shape_cast %get3A_252 : vector<16xf32> to vector<16xf32>
    %add3A_254 = arith.addf %get3A_250, %get3A_253 : vector<16xf32>
    %max3A_255 = arith.maximumf %add3A_254, %broadcast_in_dim3A_224 : vector<16xf32>
    %div3A_256 = arith.divf %broadcast_in_dim3A_224, %max3A_255 : vector<16xf32>
    %swap3A_257 = arith.constant 32 : index
    %swap3A_258 = tpu.vector_load %arg6[%swap3A_257] {strides = array<i32>} : memref<640xf32, #tpu.memory_space<vmem>>, vector<16xf32>,
    %swap3A_259 = vector.shape_cast %swap3A_258 : vector<16xf32> to vector<16xf32>
    %swap3A_260 = vector.shape_cast %div3A_256 : vector<16xf32> to vector<16xf32>
    tpu.vector_store %arg6[%swap3A_257], %swap3A_260 {strides = array<i32>} : memref<640xf32, #tpu.memory_space<vmem>>, vector<16xf32>,
    %get3A_261 = arith.constant 48 : index
    %get3A_262 = tpu.vector_load %arg6[%get3A_261] {strides = array<i32>} : memref<640xf32, #tpu.memory_space<vmem>>, vector<16xf32>,
    %get3A_263 = vector.shape_cast %get3A_262 : vector<16xf32> to vector<16xf32>
    %get3A_264 = arith.constant 48 : index
    %get3A_265 = tpu.vector_load %arg7[%get3A_264] {strides = array<i32>} : memref<640xf32, #tpu.memory_space<vmem>>, vector<16xf32>,
    %get3A_266 = vector.shape_cast %get3A_265 : vector<16xf32> to vector<16xf32>
    %add3A_267 = arith.addf %get3A_263, %get3A_266 : vector<16xf32>
    %max3A_268 = arith.maximumf %add3A_267, %broadcast_in_dim3A_224 : vector<16xf32>
    %div3A_269 = arith.divf %broadcast_in_dim3A_224, %max3A_268 : vector<16xf32>
    %swap3A_270 = arith.constant 48 : index
    %swap3A_271 = tpu.vector_load %arg6[%swap3A_270] {strides = array<i32>} : memref<640xf32, #tpu.memory_space<vmem>>, vector<16xf32>,
    %swap3A_272 = vector.shape_cast %swap3A_271 : vector<16xf32> to vector<16xf32>
    %swap3A_273 = vector.shape_cast %div3A_269 : vector<16xf32> to vector<16xf32>
    tpu.vector_store %arg6[%swap3A_270], %swap3A_273 {strides = array<i32>} : memref<640xf32, #tpu.memory_space<vmem>>, vector<16xf32>,
    %get3A_274 = arith.constant 64 : index
    %get3A_275 = tpu.vector_load %arg6[%get3A_274] {strides = array<i32>} : memref<640xf32, #tpu.memory_space<vmem>>, vector<16xf32>,
    %get3A_276 = vector.shape_cast %get3A_275 : vector<16xf32> to vector<16xf32>
    %get3A_277 = arith.constant 64 : index
    %get3A_278 = tpu.vector_load %arg7[%get3A_277] {strides = array<i32>} : memref<640xf32, #tpu.memory_space<vmem>>, vector<16xf32>,
    %get3A_279 = vector.shape_cast %get3A_278 : vector<16xf32> to vector<16xf32>
    %add3A_280 = arith.addf %get3A_276, %get3A_279 : vector<16xf32>
    %max3A_281 = arith.maximumf %add3A_280, %broadcast_in_dim3A_224 : vector<16xf32>
    %div3A_282 = arith.divf %broadcast_in_dim3A_224, %max3A_281 : vector<16xf32>
    %swap3A_283 = arith.constant 64 : index
    %swap3A_284 = tpu.vector_load %arg6[%swap3A_283] {strides = array<i32>} : memref<640xf32, #tpu.memory_space<vmem>>, vector<16xf32>,
    %swap3A_285 = vector.shape_cast %swap3A_284 : vector<16xf32> to vector<16xf32>
    %swap3A_286 = vector.shape_cast %div3A_282 : vector<16xf32> to vector<16xf32>
    tpu.vector_store %arg6[%swap3A_283], %swap3A_286 {strides = array<i32>} : memref<640xf32, #tpu.memory_space<vmem>>, vector<16xf32>,
    %get3A_287 = arith.constant 80 : index
    %get3A_288 = tpu.vector_load %arg6[%get3A_287] {strides = array<i32>} : memref<640xf32, #tpu.memory_space<vmem>>, vector<16xf32>,
    %get3A_289 = vector.shape_cast %get3A_288 : vector<16xf32> to vector<16xf32>
    %get3A_290 = arith.constant 80 : index
    %get3A_291 = tpu.vector_load %arg7[%get3A_290] {strides = array<i32>} : memref<640xf32, #tpu.memory_space<vmem>>, vector<16xf32>,
    %get3A_292 = vector.shape_cast %get3A_291 : vector<16xf32> to vector<16xf32>
    %add3A_293 = arith.addf %get3A_289, %get3A_292 : vector<16xf32>
    %max3A_294 = arith.maximumf %add3A_293, %broadcast_in_dim3A_224 : vector<16xf32>
    %div3A_295 = arith.divf %broadcast_in_dim3A_224, %max3A_294 : vector<16xf32>
    %swap3A_296 = arith.constant 80 : index
    %swap3A_297 = tpu.vector_load %arg6[%swap3A_296] {strides = array<i32>} : memref<640xf32, #tpu.memory_space<vmem>>, vector<16xf32>,
    %swap3A_298 = vector.shape_cast %swap3A_297 : vector<16xf32> to vector<16xf32>
    %swap3A_299 = vector.shape_cast %div3A_295 : vector<16xf32> to vector<16xf32>
    tpu.vector_store %arg6[%swap3A_296], %swap3A_299 {strides = array<i32>} : memref<640xf32, #tpu.memory_space<vmem>>, vector<16xf32>,
    %get3A_300 = arith.constant 96 : index
    %get3A_301 = tpu.vector_load %arg6[%get3A_300] {strides = array<i32>} : memref<640xf32, #tpu.memory_space<vmem>>, vector<16xf32>,
    %get3A_302 = vector.shape_cast %get3A_301 : vector<16xf32> to vector<16xf32>
    %get3A_303 = arith.constant 96 : index
    %get3A_304 = tpu.vector_load %arg7[%get3A_303] {strides = array<i32>} : memref<640xf32, #tpu.memory_space<vmem>>, vector<16xf32>,
    %get3A_305 = vector.shape_cast %get3A_304 : vector<16xf32> to vector<16xf32>
    %add3A_306 = arith.addf %get3A_302, %get3A_305 : vector<16xf32>
    %max3A_307 = arith.maximumf %add3A_306, %broadcast_in_dim3A_224 : vector<16xf32>
    %div3A_308 = arith.divf %broadcast_in_dim3A_224, %max3A_307 : vector<16xf32>
    %swap3A_309 = arith.constant 96 : index
    %swap3A_310 = tpu.vector_load %arg6[%swap3A_309] {strides = array<i32>} : memref<640xf32, #tpu.memory_space<vmem>>, vector<16xf32>,
    %swap3A_311 = vector.shape_cast %swap3A_310 : vector<16xf32> to vector<16xf32>
    %swap3A_312 = vector.shape_cast %div3A_308 : vector<16xf32> to vector<16xf32>
    tpu.vector_store %arg6[%swap3A_309], %swap3A_312 {strides = array<i32>} : memref<640xf32, #tpu.memory_space<vmem>>, vector<16xf32>,
    %get3A_313 = arith.constant 112 : index
    %get3A_314 = tpu.vector_load %arg6[%get3A_313] {strides = array<i32>} : memref<640xf32, #tpu.memory_space<vmem>>, vector<16xf32>,
    %get3A_315 = vector.shape_cast %get3A_314 : vector<16xf32> to vector<16xf32>
    %get3A_316 = arith.constant 112 : index
    %get3A_317 = tpu.vector_load %arg7[%get3A_316] {strides = array<i32>} : memref<640xf32, #tpu.memory_space<vmem>>, vector<16xf32>,
    %get3A_318 = vector.shape_cast %get3A_317 : vector<16xf32> to vector<16xf32>
    %add3A_319 = arith.addf %get3A_315, %get3A_318 : vector<16xf32>
    %max3A_320 = arith.maximumf %add3A_319, %broadcast_in_dim3A_224 : vector<16xf32>
    %div3A_321 = arith.divf %broadcast_in_dim3A_224, %max3A_320 : vector<16xf32>
    %swap3A_322 = arith.constant 112 : index
    %swap3A_323 = tpu.vector_load %arg6[%swap3A_322] {strides = array<i32>} : memref<640xf32, #tpu.memory_space<vmem>>, vector<16xf32>,
    %swap3A_324 = vector.shape_cast %swap3A_323 : vector<16xf32> to vector<16xf32>
    %swap3A_325 = vector.shape_cast %div3A_321 : vector<16xf32> to vector<16xf32>
    tpu.vector_store %arg6[%swap3A_322], %swap3A_325 {strides = array<i32>} : memref<640xf32, #tpu.memory_space<vmem>>, vector<16xf32>,
    %get3A_326 = arith.constant 128 : index
    %get3A_327 = tpu.vector_load %arg6[%get3A_326] {strides = array<i32>} : memref<640xf32, #tpu.memory_space<vmem>>, vector<16xf32>,
    %get3A_328 = vector.shape_cast %get3A_327 : vector<16xf32> to vector<16xf32>
    %get3A_329 = arith.constant 128 : index
    %get3A_330 = tpu.vector_load %arg7[%get3A_329] {strides = array<i32>} : memref<640xf32, #tpu.memory_space<vmem>>, vector<16xf32>,
    %get3A_331 = vector.shape_cast %get3A_330 : vector<16xf32> to vector<16xf32>
    %add3A_332 = arith.addf %get3A_328, %get3A_331 : vector<16xf32>
    %max3A_333 = arith.maximumf %add3A_332, %broadcast_in_dim3A_224 : vector<16xf32>
    %div3A_334 = arith.divf %broadcast_in_dim3A_224, %max3A_333 : vector<16xf32>
    %swap3A_335 = arith.constant 128 : index
    %swap3A_336 = tpu.vector_load %arg6[%swap3A_335] {strides = array<i32>} : memref<640xf32, #tpu.memory_space<vmem>>, vector<16xf32>,
    %swap3A_337 = vector.shape_cast %swap3A_336 : vector<16xf32> to vector<16xf32>
    %swap3A_338 = vector.shape_cast %div3A_334 : vector<16xf32> to vector<16xf32>
    tpu.vector_store %arg6[%swap3A_335], %swap3A_338 {strides = array<i32>} : memref<640xf32, #tpu.memory_space<vmem>>, vector<16xf32>,
    %get3A_339 = arith.constant 144 : index
    %get3A_340 = tpu.vector_load %arg6[%get3A_339] {strides = array<i32>} : memref<640xf32, #tpu.memory_space<vmem>>, vector<16xf32>,
    %get3A_341 = vector.shape_cast %get3A_340 : vector<16xf32> to vector<16xf32>
    %get3A_342 = arith.constant 144 : index
    %get3A_343 = tpu.vector_load %arg7[%get3A_342] {strides = array<i32>} : memref<640xf32, #tpu.memory_space<vmem>>, vector<16xf32>,
    %get3A_344 = vector.shape_cast %get3A_343 : vector<16xf32> to vector<16xf32>
    %add3A_345 = arith.addf %get3A_341, %get3A_344 : vector<16xf32>
    %max3A_346 = arith.maximumf %add3A_345, %broadcast_in_dim3A_224 : vector<16xf32>
    %div3A_347 = arith.divf %broadcast_in_dim3A_224, %max3A_346 : vector<16xf32>
    %swap3A_348 = arith.constant 144 : index
    %swap3A_349 = tpu.vector_load %arg6[%swap3A_348] {strides = array<i32>} : memref<640xf32, #tpu.memory_space<vmem>>, vector<16xf32>,
    %swap3A_350 = vector.shape_cast %swap3A_349 : vector<16xf32> to vector<16xf32>
    %swap3A_351 = vector.shape_cast %div3A_347 : vector<16xf32> to vector<16xf32>
    tpu.vector_store %arg6[%swap3A_348], %swap3A_351 {strides = array<i32>} : memref<640xf32, #tpu.memory_space<vmem>>, vector<16xf32>,
    %get3A_352 = arith.constant 160 : index
    %get3A_353 = tpu.vector_load %arg6[%get3A_352] {strides = array<i32>} : memref<640xf32, #tpu.memory_space<vmem>>, vector<16xf32>,
    %get3A_354 = vector.shape_cast %get3A_353 : vector<16xf32> to vector<16xf32>
    %get3A_355 = arith.constant 160 : index
    %get3A_356 = tpu.vector_load %arg7[%get3A_355] {strides = array<i32>} : memref<640xf32, #tpu.memory_space<vmem>>, vector<16xf32>,
    %get3A_357 = vector.shape_cast %get3A_356 : vector<16xf32> to vector<16xf32>
    %add3A_358 = arith.addf %get3A_354, %get3A_357 : vector<16xf32>
    %max3A_359 = arith.maximumf %add3A_358, %broadcast_in_dim3A_224 : vector<16xf32>
    %div3A_360 = arith.divf %broadcast_in_dim3A_224, %max3A_359 : vector<16xf32>
    %swap3A_361 = arith.constant 160 : index
    %swap3A_362 = tpu.vector_load %arg6[%swap3A_361] {strides = array<i32>} : memref<640xf32, #tpu.memory_space<vmem>>, vector<16xf32>,
    %swap3A_363 = vector.shape_cast %swap3A_362 : vector<16xf32> to vector<16xf32>
    %swap3A_364 = vector.shape_cast %div3A_360 : vector<16xf32> to vector<16xf32>
    tpu.vector_store %arg6[%swap3A_361], %swap3A_364 {strides = array<i32>} : memref<640xf32, #tpu.memory_space<vmem>>, vector<16xf32>,
    %get3A_365 = arith.constant 176 : index
    %get3A_366 = tpu.vector_load %arg6[%get3A_365] {strides = array<i32>} : memref<640xf32, #tpu.memory_space<vmem>>, vector<16xf32>,
    %get3A_367 = vector.shape_cast %get3A_366 : vector<16xf32> to vector<16xf32>
    %get3A_368 = arith.constant 176 : index
    %get3A_369 = tpu.vector_load %arg7[%get3A_368] {strides = array<i32>} : memref<640xf32, #tpu.memory_space<vmem>>, vector<16xf32>,
    %get3A_370 = vector.shape_cast %get3A_369 : vector<16xf32> to vector<16xf32>
    %add3A_371 = arith.addf %get3A_367, %get3A_370 : vector<16xf32>
    %max3A_372 = arith.maximumf %add3A_371, %broadcast_in_dim3A_224 : vector<16xf32>
    %div3A_373 = arith.divf %broadcast_in_dim3A_224, %max3A_372 : vector<16xf32>
    %swap3A_374 = arith.constant 176 : index
    %swap3A_375 = tpu.vector_load %arg6[%swap3A_374] {strides = array<i32>} : memref<640xf32, #tpu.memory_space<vmem>>, vector<16xf32>,
    %swap3A_376 = vector.shape_cast %swap3A_375 : vector<16xf32> to vector<16xf32>
    %swap3A_377 = vector.shape_cast %div3A_373 : vector<16xf32> to vector<16xf32>
    tpu.vector_store %arg6[%swap3A_374], %swap3A_377 {strides = array<i32>} : memref<640xf32, #tpu.memory_space<vmem>>, vector<16xf32>,
    %get3A_378 = arith.constant 192 : index
    %get3A_379 = tpu.vector_load %arg6[%get3A_378] {strides = array<i32>} : memref<640xf32, #tpu.memory_space<vmem>>, vector<16xf32>,
    %get3A_380 = vector.shape_cast %get3A_379 : vector<16xf32> to vector<16xf32>
    %get3A_381 = arith.constant 192 : index
    %get3A_382 = tpu.vector_load %arg7[%get3A_381] {strides = array<i32>} : memref<640xf32, #tpu.memory_space<vmem>>, vector<16xf32>,
    %get3A_383 = vector.shape_cast %get3A_382 : vector<16xf32> to vector<16xf32>
    %add3A_384 = arith.addf %get3A_380, %get3A_383 : vector<16xf32>
    %max3A_385 = arith.maximumf %add3A_384, %broadcast_in_dim3A_224 : vector<16xf32>
    %div3A_386 = arith.divf %broadcast_in_dim3A_224, %max3A_385 : vector<16xf32>
    %swap3A_387 = arith.constant 192 : index
    %swap3A_388 = tpu.vector_load %arg6[%swap3A_387] {strides = array<i32>} : memref<640xf32, #tpu.memory_space<vmem>>, vector<16xf32>,
    %swap3A_389 = vector.shape_cast %swap3A_388 : vector<16xf32> to vector<16xf32>
    %swap3A_390 = vector.shape_cast %div3A_386 : vector<16xf32> to vector<16xf32>
    tpu.vector_store %arg6[%swap3A_387], %swap3A_390 {strides = array<i32>} : memref<640xf32, #tpu.memory_space<vmem>>, vector<16xf32>,
    %get3A_391 = arith.constant 208 : index
    %get3A_392 = tpu.vector_load %arg6[%get3A_391] {strides = array<i32>} : memref<640xf32, #tpu.memory_space<vmem>>, vector<16xf32>,
    %get3A_393 = vector.shape_cast %get3A_392 : vector<16xf32> to vector<16xf32>
    %get3A_394 = arith.constant 208 : index
    %get3A_395 = tpu.vector_load %arg7[%get3A_394] {strides = array<i32>} : memref<640xf32, #tpu.memory_space<vmem>>, vector<16xf32>,
    %get3A_396 = vector.shape_cast %get3A_395 : vector<16xf32> to vector<16xf32>
    %add3A_397 = arith.addf %get3A_393, %get3A_396 : vector<16xf32>
    %max3A_398 = arith.maximumf %add3A_397, %broadcast_in_dim3A_224 : vector<16xf32>
    %div3A_399 = arith.divf %broadcast_in_dim3A_224, %max3A_398 : vector<16xf32>
    %swap3A_400 = arith.constant 208 : index
    %swap3A_401 = tpu.vector_load %arg6[%swap3A_400] {strides = array<i32>} : memref<640xf32, #tpu.memory_space<vmem>>, vector<16xf32>,
    %swap3A_402 = vector.shape_cast %swap3A_401 : vector<16xf32> to vector<16xf32>
    %swap3A_403 = vector.shape_cast %div3A_399 : vector<16xf32> to vector<16xf32>
    tpu.vector_store %arg6[%swap3A_400], %swap3A_403 {strides = array<i32>} : memref<640xf32, #tpu.memory_space<vmem>>, vector<16xf32>,
    %get3A_404 = arith.constant 224 : index
    %get3A_405 = tpu.vector_load %arg6[%get3A_404] {strides = array<i32>} : memref<640xf32, #tpu.memory_space<vmem>>, vector<16xf32>,
    %get3A_406 = vector.shape_cast %get3A_405 : vector<16xf32> to vector<16xf32>
    %get3A_407 = arith.constant 224 : index
    %get3A_408 = tpu.vector_load %arg7[%get3A_407] {strides = array<i32>} : memref<640xf32, #tpu.memory_space<vmem>>, vector<16xf32>,
    %get3A_409 = vector.shape_cast %get3A_408 : vector<16xf32> to vector<16xf32>
    %add3A_410 = arith.addf %get3A_406, %get3A_409 : vector<16xf32>
    %max3A_411 = arith.maximumf %add3A_410, %broadcast_in_dim3A_224 : vector<16xf32>
    %div3A_412 = arith.divf %broadcast_in_dim3A_224, %max3A_411 : vector<16xf32>
    %swap3A_413 = arith.constant 224 : index
    %swap3A_414 = tpu.vector_load %arg6[%swap3A_413] {strides = array<i32>} : memref<640xf32, #tpu.memory_space<vmem>>, vector<16xf32>,
    %swap3A_415 = vector.shape_cast %swap3A_414 : vector<16xf32> to vector<16xf32>
    %swap3A_416 = vector.shape_cast %div3A_412 : vector<16xf32> to vector<16xf32>
    tpu.vector_store %arg6[%swap3A_413], %swap3A_416 {strides = array<i32>} : memref<640xf32, #tpu.memory_space<vmem>>, vector<16xf32>,
    %get3A_417 = arith.constant 240 : index
    %get3A_418 = tpu.vector_load %arg6[%get3A_417] {strides = array<i32>} : memref<640xf32, #tpu.memory_space<vmem>>, vector<16xf32>,
    %get3A_419 = vector.shape_cast %get3A_418 : vector<16xf32> to vector<16xf32>
    %get3A_420 = arith.constant 240 : index
    %get3A_421 = tpu.vector_load %arg7[%get3A_420] {strides = array<i32>} : memref<640xf32, #tpu.memory_space<vmem>>, vector<16xf32>,
    %get3A_422 = vector.shape_cast %get3A_421 : vector<16xf32> to vector<16xf32>
    %add3A_423 = arith.addf %get3A_419, %get3A_422 : vector<16xf32>
    %max3A_424 = arith.maximumf %add3A_423, %broadcast_in_dim3A_224 : vector<16xf32>
    %div3A_425 = arith.divf %broadcast_in_dim3A_224, %max3A_424 : vector<16xf32>
    %swap3A_426 = arith.constant 240 : index
    %swap3A_427 = tpu.vector_load %arg6[%swap3A_426] {strides = array<i32>} : memref<640xf32, #tpu.memory_space<vmem>>, vector<16xf32>,
    %swap3A_428 = vector.shape_cast %swap3A_427 : vector<16xf32> to vector<16xf32>
    %swap3A_429 = vector.shape_cast %div3A_425 : vector<16xf32> to vector<16xf32>
    tpu.vector_store %arg6[%swap3A_426], %swap3A_429 {strides = array<i32>} : memref<640xf32, #tpu.memory_space<vmem>>, vector<16xf32>,
    %get3A_430 = arith.constant 256 : index
    %get3A_431 = tpu.vector_load %arg6[%get3A_430] {strides = array<i32>} : memref<640xf32, #tpu.memory_space<vmem>>, vector<16xf32>,
    %get3A_432 = vector.shape_cast %get3A_431 : vector<16xf32> to vector<16xf32>
    %get3A_433 = arith.constant 256 : index
    %get3A_434 = tpu.vector_load %arg7[%get3A_433] {strides = array<i32>} : memref<640xf32, #tpu.memory_space<vmem>>, vector<16xf32>,
    %get3A_435 = vector.shape_cast %get3A_434 : vector<16xf32> to vector<16xf32>
    %add3A_436 = arith.addf %get3A_432, %get3A_435 : vector<16xf32>
    %max3A_437 = arith.maximumf %add3A_436, %broadcast_in_dim3A_224 : vector<16xf32>
    %div3A_438 = arith.divf %broadcast_in_dim3A_224, %max3A_437 : vector<16xf32>
    %swap3A_439 = arith.constant 256 : index
    %swap3A_440 = tpu.vector_load %arg6[%swap3A_439] {strides = array<i32>} : memref<640xf32, #tpu.memory_space<vmem>>, vector<16xf32>,
    %swap3A_441 = vector.shape_cast %swap3A_440 : vector<16xf32> to vector<16xf32>
    %swap3A_442 = vector.shape_cast %div3A_438 : vector<16xf32> to vector<16xf32>
    tpu.vector_store %arg6[%swap3A_439], %swap3A_442 {strides = array<i32>} : memref<640xf32, #tpu.memory_space<vmem>>, vector<16xf32>,
    %get3A_443 = arith.constant 272 : index
    %get3A_444 = tpu.vector_load %arg6[%get3A_443] {strides = array<i32>} : memref<640xf32, #tpu.memory_space<vmem>>, vector<16xf32>,
    %get3A_445 = vector.shape_cast %get3A_444 : vector<16xf32> to vector<16xf32>
    %get3A_446 = arith.constant 272 : index
    %get3A_447 = tpu.vector_load %arg7[%get3A_446] {strides = array<i32>} : memref<640xf32, #tpu.memory_space<vmem>>, vector<16xf32>,
    %get3A_448 = vector.shape_cast %get3A_447 : vector<16xf32> to vector<16xf32>
    %add3A_449 = arith.addf %get3A_445, %get3A_448 : vector<16xf32>
    %max3A_450 = arith.maximumf %add3A_449, %broadcast_in_dim3A_224 : vector<16xf32>
    %div3A_451 = arith.divf %broadcast_in_dim3A_224, %max3A_450 : vector<16xf32>
    %swap3A_452 = arith.constant 272 : index
    %swap3A_453 = tpu.vector_load %arg6[%swap3A_452] {strides = array<i32>} : memref<640xf32, #tpu.memory_space<vmem>>, vector<16xf32>,
    %swap3A_454 = vector.shape_cast %swap3A_453 : vector<16xf32> to vector<16xf32>
    %swap3A_455 = vector.shape_cast %div3A_451 : vector<16xf32> to vector<16xf32>
    tpu.vector_store %arg6[%swap3A_452], %swap3A_455 {strides = array<i32>} : memref<640xf32, #tpu.memory_space<vmem>>, vector<16xf32>,
    %get3A_456 = arith.constant 288 : index
    %get3A_457 = tpu.vector_load %arg6[%get3A_456] {strides = array<i32>} : memref<640xf32, #tpu.memory_space<vmem>>, vector<16xf32>,
    %get3A_458 = vector.shape_cast %get3A_457 : vector<16xf32> to vector<16xf32>
    %get3A_459 = arith.constant 288 : index
    %get3A_460 = tpu.vector_load %arg7[%get3A_459] {strides = array<i32>} : memref<640xf32, #tpu.memory_space<vmem>>, vector<16xf32>,
    %get3A_461 = vector.shape_cast %get3A_460 : vector<16xf32> to vector<16xf32>
    %add3A_462 = arith.addf %get3A_458, %get3A_461 : vector<16xf32>
    %max3A_463 = arith.maximumf %add3A_462, %broadcast_in_dim3A_224 : vector<16xf32>
    %div3A_464 = arith.divf %broadcast_in_dim3A_224, %max3A_463 : vector<16xf32>
    %swap3A_465 = arith.constant 288 : index
    %swap3A_466 = tpu.vector_load %arg6[%swap3A_465] {strides = array<i32>} : memref<640xf32, #tpu.memory_space<vmem>>, vector<16xf32>,
    %swap3A_467 = vector.shape_cast %swap3A_466 : vector<16xf32> to vector<16xf32>
    %swap3A_468 = vector.shape_cast %div3A_464 : vector<16xf32> to vector<16xf32>
    tpu.vector_store %arg6[%swap3A_465], %swap3A_468 {strides = array<i32>} : memref<640xf32, #tpu.memory_space<vmem>>, vector<16xf32>,
    %get3A_469 = arith.constant 304 : index
    %get3A_470 = tpu.vector_load %arg6[%get3A_469] {strides = array<i32>} : memref<640xf32, #tpu.memory_space<vmem>>, vector<16xf32>,
    %get3A_471 = vector.shape_cast %get3A_470 : vector<16xf32> to vector<16xf32>
    %get3A_472 = arith.constant 304 : index
    %get3A_473 = tpu.vector_load %arg7[%get3A_472] {strides = array<i32>} : memref<640xf32, #tpu.memory_space<vmem>>, vector<16xf32>,
    %get3A_474 = vector.shape_cast %get3A_473 : vector<16xf32> to vector<16xf32>
    %add3A_475 = arith.addf %get3A_471, %get3A_474 : vector<16xf32>
    %max3A_476 = arith.maximumf %add3A_475, %broadcast_in_dim3A_224 : vector<16xf32>
    %div3A_477 = arith.divf %broadcast_in_dim3A_224, %max3A_476 : vector<16xf32>
    %swap3A_478 = arith.constant 304 : index
    %swap3A_479 = tpu.vector_load %arg6[%swap3A_478] {strides = array<i32>} : memref<640xf32, #tpu.memory_space<vmem>>, vector<16xf32>,
    %swap3A_480 = vector.shape_cast %swap3A_479 : vector<16xf32> to vector<16xf32>
    %swap3A_481 = vector.shape_cast %div3A_477 : vector<16xf32> to vector<16xf32>
    tpu.vector_store %arg6[%swap3A_478], %swap3A_481 {strides = array<i32>} : memref<640xf32, #tpu.memory_space<vmem>>, vector<16xf32>,
    %get3A_482 = arith.constant 320 : index
    %get3A_483 = tpu.vector_load %arg6[%get3A_482] {strides = array<i32>} : memref<640xf32, #tpu.memory_space<vmem>>, vector<16xf32>,
    %get3A_484 = vector.shape_cast %get3A_483 : vector<16xf32> to vector<16xf32>
    %get3A_485 = arith.constant 320 : index
    %get3A_486 = tpu.vector_load %arg7[%get3A_485] {strides = array<i32>} : memref<640xf32, #tpu.memory_space<vmem>>, vector<16xf32>,
    %get3A_487 = vector.shape_cast %get3A_486 : vector<16xf32> to vector<16xf32>
    %add3A_488 = arith.addf %get3A_484, %get3A_487 : vector<16xf32>
    %max3A_489 = arith.maximumf %add3A_488, %broadcast_in_dim3A_224 : vector<16xf32>
    %div3A_490 = arith.divf %broadcast_in_dim3A_224, %max3A_489 : vector<16xf32>
    %swap3A_491 = arith.constant 320 : index
    %swap3A_492 = tpu.vector_load %arg6[%swap3A_491] {strides = array<i32>} : memref<640xf32, #tpu.memory_space<vmem>>, vector<16xf32>,
    %swap3A_493 = vector.shape_cast %swap3A_492 : vector<16xf32> to vector<16xf32>
    %swap3A_494 = vector.shape_cast %div3A_490 : vector<16xf32> to vector<16xf32>
    tpu.vector_store %arg6[%swap3A_491], %swap3A_494 {strides = array<i32>} : memref<640xf32, #tpu.memory_space<vmem>>, vector<16xf32>,
    %get3A_495 = arith.constant 336 : index
    %get3A_496 = tpu.vector_load %arg6[%get3A_495] {strides = array<i32>} : memref<640xf32, #tpu.memory_space<vmem>>, vector<16xf32>,
    %get3A_497 = vector.shape_cast %get3A_496 : vector<16xf32> to vector<16xf32>
    %get3A_498 = arith.constant 336 : index
    %get3A_499 = tpu.vector_load %arg7[%get3A_498] {strides = array<i32>} : memref<640xf32, #tpu.memory_space<vmem>>, vector<16xf32>,
    %get3A_500 = vector.shape_cast %get3A_499 : vector<16xf32> to vector<16xf32>
    %add3A_501 = arith.addf %get3A_497, %get3A_500 : vector<16xf32>
    %max3A_502 = arith.maximumf %add3A_501, %broadcast_in_dim3A_224 : vector<16xf32>
    %div3A_503 = arith.divf %broadcast_in_dim3A_224, %max3A_502 : vector<16xf32>
    %swap3A_504 = arith.constant 336 : index
    %swap3A_505 = tpu.vector_load %arg6[%swap3A_504] {strides = array<i32>} : memref<640xf32, #tpu.memory_space<vmem>>, vector<16xf32>,
    %swap3A_506 = vector.shape_cast %swap3A_505 : vector<16xf32> to vector<16xf32>
    %swap3A_507 = vector.shape_cast %div3A_503 : vector<16xf32> to vector<16xf32>
    tpu.vector_store %arg6[%swap3A_504], %swap3A_507 {strides = array<i32>} : memref<640xf32, #tpu.memory_space<vmem>>, vector<16xf32>,
    %get3A_508 = arith.constant 352 : index
    %get3A_509 = tpu.vector_load %arg6[%get3A_508] {strides = array<i32>} : memref<640xf32, #tpu.memory_space<vmem>>, vector<16xf32>,
    %get3A_510 = vector.shape_cast %get3A_509 : vector<16xf32> to vector<16xf32>
    %get3A_511 = arith.constant 352 : index
    %get3A_512 = tpu.vector_load %arg7[%get3A_511] {strides = array<i32>} : memref<640xf32, #tpu.memory_space<vmem>>, vector<16xf32>,
    %get3A_513 = vector.shape_cast %get3A_512 : vector<16xf32> to vector<16xf32>
    %add3A_514 = arith.addf %get3A_510, %get3A_513 : vector<16xf32>
    %max3A_515 = arith.maximumf %add3A_514, %broadcast_in_dim3A_224 : vector<16xf32>
    %div3A_516 = arith.divf %broadcast_in_dim3A_224, %max3A_515 : vector<16xf32>
    %swap3A_517 = arith.constant 352 : index
    %swap3A_518 = tpu.vector_load %arg6[%swap3A_517] {strides = array<i32>} : memref<640xf32, #tpu.memory_space<vmem>>, vector<16xf32>,
    %swap3A_519 = vector.shape_cast %swap3A_518 : vector<16xf32> to vector<16xf32>
    %swap3A_520 = vector.shape_cast %div3A_516 : vector<16xf32> to vector<16xf32>
    tpu.vector_store %arg6[%swap3A_517], %swap3A_520 {strides = array<i32>} : memref<640xf32, #tpu.memory_space<vmem>>, vector<16xf32>,
    %get3A_521 = arith.constant 368 : index
    %get3A_522 = tpu.vector_load %arg6[%get3A_521] {strides = array<i32>} : memref<640xf32, #tpu.memory_space<vmem>>, vector<16xf32>,
    %get3A_523 = vector.shape_cast %get3A_522 : vector<16xf32> to vector<16xf32>
    %get3A_524 = arith.constant 368 : index
    %get3A_525 = tpu.vector_load %arg7[%get3A_524] {strides = array<i32>} : memref<640xf32, #tpu.memory_space<vmem>>, vector<16xf32>,
    %get3A_526 = vector.shape_cast %get3A_525 : vector<16xf32> to vector<16xf32>
    %add3A_527 = arith.addf %get3A_523, %get3A_526 : vector<16xf32>
    %max3A_528 = arith.maximumf %add3A_527, %broadcast_in_dim3A_224 : vector<16xf32>
    %div3A_529 = arith.divf %broadcast_in_dim3A_224, %max3A_528 : vector<16xf32>
    %swap3A_530 = arith.constant 368 : index
    %swap3A_531 = tpu.vector_load %arg6[%swap3A_530] {strides = array<i32>} : memref<640xf32, #tpu.memory_space<vmem>>, vector<16xf32>,
    %swap3A_532 = vector.shape_cast %swap3A_531 : vector<16xf32> to vector<16xf32>
    %swap3A_533 = vector.shape_cast %div3A_529 : vector<16xf32> to vector<16xf32>
    tpu.vector_store %arg6[%swap3A_530], %swap3A_533 {strides = array<i32>} : memref<640xf32, #tpu.memory_space<vmem>>, vector<16xf32>,
    %get3A_534 = arith.constant 384 : index
    %get3A_535 = tpu.vector_load %arg6[%get3A_534] {strides = array<i32>} : memref<640xf32, #tpu.memory_space<vmem>>, vector<16xf32>,
    %get3A_536 = vector.shape_cast %get3A_535 : vector<16xf32> to vector<16xf32>
    %get3A_537 = arith.constant 384 : index
    %get3A_538 = tpu.vector_load %arg7[%get3A_537] {strides = array<i32>} : memref<640xf32, #tpu.memory_space<vmem>>, vector<16xf32>,
    %get3A_539 = vector.shape_cast %get3A_538 : vector<16xf32> to vector<16xf32>
    %add3A_540 = arith.addf %get3A_536, %get3A_539 : vector<16xf32>
    %max3A_541 = arith.maximumf %add3A_540, %broadcast_in_dim3A_224 : vector<16xf32>
    %div3A_542 = arith.divf %broadcast_in_dim3A_224, %max3A_541 : vector<16xf32>
    %swap3A_543 = arith.constant 384 : index
    %swap3A_544 = tpu.vector_load %arg6[%swap3A_543] {strides = array<i32>} : memref<640xf32, #tpu.memory_space<vmem>>, vector<16xf32>,
    %swap3A_545 = vector.shape_cast %swap3A_544 : vector<16xf32> to vector<16xf32>
    %swap3A_546 = vector.shape_cast %div3A_542 : vector<16xf32> to vector<16xf32>
    tpu.vector_store %arg6[%swap3A_543], %swap3A_546 {strides = array<i32>} : memref<640xf32, #tpu.memory_space<vmem>>, vector<16xf32>,
    %get3A_547 = arith.constant 400 : index
    %get3A_548 = tpu.vector_load %arg6[%get3A_547] {strides = array<i32>} : memref<640xf32, #tpu.memory_space<vmem>>, vector<16xf32>,
    %get3A_549 = vector.shape_cast %get3A_548 : vector<16xf32> to vector<16xf32>
    %get3A_550 = arith.constant 400 : index
    %get3A_551 = tpu.vector_load %arg7[%get3A_550] {strides = array<i32>} : memref<640xf32, #tpu.memory_space<vmem>>, vector<16xf32>,
    %get3A_552 = vector.shape_cast %get3A_551 : vector<16xf32> to vector<16xf32>
    %add3A_553 = arith.addf %get3A_549, %get3A_552 : vector<16xf32>
    %max3A_554 = arith.maximumf %add3A_553, %broadcast_in_dim3A_224 : vector<16xf32>
    %div3A_555 = arith.divf %broadcast_in_dim3A_224, %max3A_554 : vector<16xf32>
    %swap3A_556 = arith.constant 400 : index
    %swap3A_557 = tpu.vector_load %arg6[%swap3A_556] {strides = array<i32>} : memref<640xf32, #tpu.memory_space<vmem>>, vector<16xf32>,
    %swap3A_558 = vector.shape_cast %swap3A_557 : vector<16xf32> to vector<16xf32>
    %swap3A_559 = vector.shape_cast %div3A_555 : vector<16xf32> to vector<16xf32>
    tpu.vector_store %arg6[%swap3A_556], %swap3A_559 {strides = array<i32>} : memref<640xf32, #tpu.memory_space<vmem>>, vector<16xf32>,
    %get3A_560 = arith.constant 416 : index
    %get3A_561 = tpu.vector_load %arg6[%get3A_560] {strides = array<i32>} : memref<640xf32, #tpu.memory_space<vmem>>, vector<16xf32>,
    %get3A_562 = vector.shape_cast %get3A_561 : vector<16xf32> to vector<16xf32>
    %get3A_563 = arith.constant 416 : index
    %get3A_564 = tpu.vector_load %arg7[%get3A_563] {strides = array<i32>} : memref<640xf32, #tpu.memory_space<vmem>>, vector<16xf32>,
    %get3A_565 = vector.shape_cast %get3A_564 : vector<16xf32> to vector<16xf32>
    %add3A_566 = arith.addf %get3A_562, %get3A_565 : vector<16xf32>
    %max3A_567 = arith.maximumf %add3A_566, %broadcast_in_dim3A_224 : vector<16xf32>
    %div3A_568 = arith.divf %broadcast_in_dim3A_224, %max3A_567 : vector<16xf32>
    %swap3A_569 = arith.constant 416 : index
    %swap3A_570 = tpu.vector_load %arg6[%swap3A_569] {strides = array<i32>} : memref<640xf32, #tpu.memory_space<vmem>>, vector<16xf32>,
    %swap3A_571 = vector.shape_cast %swap3A_570 : vector<16xf32> to vector<16xf32>
    %swap3A_572 = vector.shape_cast %div3A_568 : vector<16xf32> to vector<16xf32>
    tpu.vector_store %arg6[%swap3A_569], %swap3A_572 {strides = array<i32>} : memref<640xf32, #tpu.memory_space<vmem>>, vector<16xf32>,
    %get3A_573 = arith.constant 432 : index
    %get3A_574 = tpu.vector_load %arg6[%get3A_573] {strides = array<i32>} : memref<640xf32, #tpu.memory_space<vmem>>, vector<16xf32>,
    %get3A_575 = vector.shape_cast %get3A_574 : vector<16xf32> to vector<16xf32>
    %get3A_576 = arith.constant 432 : index
    %get3A_577 = tpu.vector_load %arg7[%get3A_576] {strides = array<i32>} : memref<640xf32, #tpu.memory_space<vmem>>, vector<16xf32>,
    %get3A_578 = vector.shape_cast %get3A_577 : vector<16xf32> to vector<16xf32>
    %add3A_579 = arith.addf %get3A_575, %get3A_578 : vector<16xf32>
    %max3A_580 = arith.maximumf %add3A_579, %broadcast_in_dim3A_224 : vector<16xf32>
    %div3A_581 = arith.divf %broadcast_in_dim3A_224, %max3A_580 : vector<16xf32>
    %swap3A_582 = arith.constant 432 : index
    %swap3A_583 = tpu.vector_load %arg6[%swap3A_582] {strides = array<i32>} : memref<640xf32, #tpu.memory_space<vmem>>, vector<16xf32>,
    %swap3A_584 = vector.shape_cast %swap3A_583 : vector<16xf32> to vector<16xf32>
    %swap3A_585 = vector.shape_cast %div3A_581 : vector<16xf32> to vector<16xf32>
    tpu.vector_store %arg6[%swap3A_582], %swap3A_585 {strides = array<i32>} : memref<640xf32, #tpu.memory_space<vmem>>, vector<16xf32>,
    %get3A_586 = arith.constant 448 : index
    %get3A_587 = tpu.vector_load %arg6[%get3A_586] {strides = array<i32>} : memref<640xf32, #tpu.memory_space<vmem>>, vector<16xf32>,
    %get3A_588 = vector.shape_cast %get3A_587 : vector<16xf32> to vector<16xf32>
    %get3A_589 = arith.constant 448 : index
    %get3A_590 = tpu.vector_load %arg7[%get3A_589] {strides = array<i32>} : memref<640xf32, #tpu.memory_space<vmem>>, vector<16xf32>,
    %get3A_591 = vector.shape_cast %get3A_590 : vector<16xf32> to vector<16xf32>
    %add3A_592 = arith.addf %get3A_588, %get3A_591 : vector<16xf32>
    %max3A_593 = arith.maximumf %add3A_592, %broadcast_in_dim3A_224 : vector<16xf32>
    %div3A_594 = arith.divf %broadcast_in_dim3A_224, %max3A_593 : vector<16xf32>
    %swap3A_595 = arith.constant 448 : index
    %swap3A_596 = tpu.vector_load %arg6[%swap3A_595] {strides = array<i32>} : memref<640xf32, #tpu.memory_space<vmem>>, vector<16xf32>,
    %swap3A_597 = vector.shape_cast %swap3A_596 : vector<16xf32> to vector<16xf32>
    %swap3A_598 = vector.shape_cast %div3A_594 : vector<16xf32> to vector<16xf32>
    tpu.vector_store %arg6[%swap3A_595], %swap3A_598 {strides = array<i32>} : memref<640xf32, #tpu.memory_space<vmem>>, vector<16xf32>,
    %get3A_599 = arith.constant 464 : index
    %get3A_600 = tpu.vector_load %arg6[%get3A_599] {strides = array<i32>} : memref<640xf32, #tpu.memory_space<vmem>>, vector<16xf32>,
    %get3A_601 = vector.shape_cast %get3A_600 : vector<16xf32> to vector<16xf32>
    %get3A_602 = arith.constant 464 : index
    %get3A_603 = tpu.vector_load %arg7[%get3A_602] {strides = array<i32>} : memref<640xf32, #tpu.memory_space<vmem>>, vector<16xf32>,
    %get3A_604 = vector.shape_cast %get3A_603 : vector<16xf32> to vector<16xf32>
    %add3A_605 = arith.addf %get3A_601, %get3A_604 : vector<16xf32>
    %max3A_606 = arith.maximumf %add3A_605, %broadcast_in_dim3A_224 : vector<16xf32>
    %div3A_607 = arith.divf %broadcast_in_dim3A_224, %max3A_606 : vector<16xf32>
    %swap3A_608 = arith.constant 464 : index
    %swap3A_609 = tpu.vector_load %arg6[%swap3A_608] {strides = array<i32>} : memref<640xf32, #tpu.memory_space<vmem>>, vector<16xf32>,
    %swap3A_610 = vector.shape_cast %swap3A_609 : vector<16xf32> to vector<16xf32>
    %swap3A_611 = vector.shape_cast %div3A_607 : vector<16xf32> to vector<16xf32>
    tpu.vector_store %arg6[%swap3A_608], %swap3A_611 {strides = array<i32>} : memref<640xf32, #tpu.memory_space<vmem>>, vector<16xf32>,
    %get3A_612 = arith.constant 480 : index
    %get3A_613 = tpu.vector_load %arg6[%get3A_612] {strides = array<i32>} : memref<640xf32, #tpu.memory_space<vmem>>, vector<16xf32>,
    %get3A_614 = vector.shape_cast %get3A_613 : vector<16xf32> to vector<16xf32>
    %get3A_615 = arith.constant 480 : index
    %get3A_616 = tpu.vector_load %arg7[%get3A_615] {strides = array<i32>} : memref<640xf32, #tpu.memory_space<vmem>>, vector<16xf32>,
    %get3A_617 = vector.shape_cast %get3A_616 : vector<16xf32> to vector<16xf32>
    %add3A_618 = arith.addf %get3A_614, %get3A_617 : vector<16xf32>
    %max3A_619 = arith.maximumf %add3A_618, %broadcast_in_dim3A_224 : vector<16xf32>
    %div3A_620 = arith.divf %broadcast_in_dim3A_224, %max3A_619 : vector<16xf32>
    %swap3A_621 = arith.constant 480 : index
    %swap3A_622 = tpu.vector_load %arg6[%swap3A_621] {strides = array<i32>} : memref<640xf32, #tpu.memory_space<vmem>>, vector<16xf32>,
    %swap3A_623 = vector.shape_cast %swap3A_622 : vector<16xf32> to vector<16xf32>
    %swap3A_624 = vector.shape_cast %div3A_620 : vector<16xf32> to vector<16xf32>
    tpu.vector_store %arg6[%swap3A_621], %swap3A_624 {strides = array<i32>} : memref<640xf32, #tpu.memory_space<vmem>>, vector<16xf32>,
    %get3A_625 = arith.constant 496 : index
    %get3A_626 = tpu.vector_load %arg6[%get3A_625] {strides = array<i32>} : memref<640xf32, #tpu.memory_space<vmem>>, vector<16xf32>,
    %get3A_627 = vector.shape_cast %get3A_626 : vector<16xf32> to vector<16xf32>
    %get3A_628 = arith.constant 496 : index
    %get3A_629 = tpu.vector_load %arg7[%get3A_628] {strides = array<i32>} : memref<640xf32, #tpu.memory_space<vmem>>, vector<16xf32>,
    %get3A_630 = vector.shape_cast %get3A_629 : vector<16xf32> to vector<16xf32>
    %add3A_631 = arith.addf %get3A_627, %get3A_630 : vector<16xf32>
    %max3A_632 = arith.maximumf %add3A_631, %broadcast_in_dim3A_224 : vector<16xf32>
    %div3A_633 = arith.divf %broadcast_in_dim3A_224, %max3A_632 : vector<16xf32>
    %swap3A_634 = arith.constant 496 : index
    %swap3A_635 = tpu.vector_load %arg6[%swap3A_634] {strides = array<i32>} : memref<640xf32, #tpu.memory_space<vmem>>, vector<16xf32>,
    %swap3A_636 = vector.shape_cast %swap3A_635 : vector<16xf32> to vector<16xf32>
    %swap3A_637 = vector.shape_cast %div3A_633 : vector<16xf32> to vector<16xf32>
    tpu.vector_store %arg6[%swap3A_634], %swap3A_637 {strides = array<i32>} : memref<640xf32, #tpu.memory_space<vmem>>, vector<16xf32>,
    %get3A_638 = arith.constant 512 : index
    %get3A_639 = tpu.vector_load %arg6[%get3A_638] {strides = array<i32>} : memref<640xf32, #tpu.memory_space<vmem>>, vector<16xf32>,
    %get3A_640 = vector.shape_cast %get3A_639 : vector<16xf32> to vector<16xf32>
    %get3A_641 = arith.constant 512 : index
    %get3A_642 = tpu.vector_load %arg7[%get3A_641] {strides = array<i32>} : memref<640xf32, #tpu.memory_space<vmem>>, vector<16xf32>,
    %get3A_643 = vector.shape_cast %get3A_642 : vector<16xf32> to vector<16xf32>
    %add3A_644 = arith.addf %get3A_640, %get3A_643 : vector<16xf32>
    %max3A_645 = arith.maximumf %add3A_644, %broadcast_in_dim3A_224 : vector<16xf32>
    %div3A_646 = arith.divf %broadcast_in_dim3A_224, %max3A_645 : vector<16xf32>
    %swap3A_647 = arith.constant 512 : index
    %swap3A_648 = tpu.vector_load %arg6[%swap3A_647] {strides = array<i32>} : memref<640xf32, #tpu.memory_space<vmem>>, vector<16xf32>,
    %swap3A_649 = vector.shape_cast %swap3A_648 : vector<16xf32> to vector<16xf32>
    %swap3A_650 = vector.shape_cast %div3A_646 : vector<16xf32> to vector<16xf32>
    tpu.vector_store %arg6[%swap3A_647], %swap3A_650 {strides = array<i32>} : memref<640xf32, #tpu.memory_space<vmem>>, vector<16xf32>,
    %get3A_651 = arith.constant 528 : index
    %get3A_652 = tpu.vector_load %arg6[%get3A_651] {strides = array<i32>} : memref<640xf32, #tpu.memory_space<vmem>>, vector<16xf32>,
    %get3A_653 = vector.shape_cast %get3A_652 : vector<16xf32> to vector<16xf32>
    %get3A_654 = arith.constant 528 : index
    %get3A_655 = tpu.vector_load %arg7[%get3A_654] {strides = array<i32>} : memref<640xf32, #tpu.memory_space<vmem>>, vector<16xf32>,
    %get3A_656 = vector.shape_cast %get3A_655 : vector<16xf32> to vector<16xf32>
    %add3A_657 = arith.addf %get3A_653, %get3A_656 : vector<16xf32>
    %max3A_658 = arith.maximumf %add3A_657, %broadcast_in_dim3A_224 : vector<16xf32>
    %div3A_659 = arith.divf %broadcast_in_dim3A_224, %max3A_658 : vector<16xf32>
    %swap3A_660 = arith.constant 528 : index
    %swap3A_661 = tpu.vector_load %arg6[%swap3A_660] {strides = array<i32>} : memref<640xf32, #tpu.memory_space<vmem>>, vector<16xf32>,
    %swap3A_662 = vector.shape_cast %swap3A_661 : vector<16xf32> to vector<16xf32>
    %swap3A_663 = vector.shape_cast %div3A_659 : vector<16xf32> to vector<16xf32>
    tpu.vector_store %arg6[%swap3A_660], %swap3A_663 {strides = array<i32>} : memref<640xf32, #tpu.memory_space<vmem>>, vector<16xf32>,
    %get3A_664 = arith.constant 544 : index
    %get3A_665 = tpu.vector_load %arg6[%get3A_664] {strides = array<i32>} : memref<640xf32, #tpu.memory_space<vmem>>, vector<16xf32>,
    %get3A_666 = vector.shape_cast %get3A_665 : vector<16xf32> to vector<16xf32>
    %get3A_667 = arith.constant 544 : index
    %get3A_668 = tpu.vector_load %arg7[%get3A_667] {strides = array<i32>} : memref<640xf32, #tpu.memory_space<vmem>>, vector<16xf32>,
    %get3A_669 = vector.shape_cast %get3A_668 : vector<16xf32> to vector<16xf32>
    %add3A_670 = arith.addf %get3A_666, %get3A_669 : vector<16xf32>
    %max3A_671 = arith.maximumf %add3A_670, %broadcast_in_dim3A_224 : vector<16xf32>
    %div3A_672 = arith.divf %broadcast_in_dim3A_224, %max3A_671 : vector<16xf32>
    %swap3A_673 = arith.constant 544 : index
    %swap3A_674 = tpu.vector_load %arg6[%swap3A_673] {strides = array<i32>} : memref<640xf32, #tpu.memory_space<vmem>>, vector<16xf32>,
    %swap3A_675 = vector.shape_cast %swap3A_674 : vector<16xf32> to vector<16xf32>
    %swap3A_676 = vector.shape_cast %div3A_672 : vector<16xf32> to vector<16xf32>
    tpu.vector_store %arg6[%swap3A_673], %swap3A_676 {strides = array<i32>} : memref<640xf32, #tpu.memory_space<vmem>>, vector<16xf32>,
    %get3A_677 = arith.constant 560 : index
    %get3A_678 = tpu.vector_load %arg6[%get3A_677] {strides = array<i32>} : memref<640xf32, #tpu.memory_space<vmem>>, vector<16xf32>,
    %get3A_679 = vector.shape_cast %get3A_678 : vector<16xf32> to vector<16xf32>
    %get3A_680 = arith.constant 560 : index
    %get3A_681 = tpu.vector_load %arg7[%get3A_680] {strides = array<i32>} : memref<640xf32, #tpu.memory_space<vmem>>, vector<16xf32>,
    %get3A_682 = vector.shape_cast %get3A_681 : vector<16xf32> to vector<16xf32>
    %add3A_683 = arith.addf %get3A_679, %get3A_682 : vector<16xf32>
    %max3A_684 = arith.maximumf %add3A_683, %broadcast_in_dim3A_224 : vector<16xf32>
    %div3A_685 = arith.divf %broadcast_in_dim3A_224, %max3A_684 : vector<16xf32>
    %swap3A_686 = arith.constant 560 : index
    %swap3A_687 = tpu.vector_load %arg6[%swap3A_686] {strides = array<i32>} : memref<640xf32, #tpu.memory_space<vmem>>, vector<16xf32>,
    %swap3A_688 = vector.shape_cast %swap3A_687 : vector<16xf32> to vector<16xf32>
    %swap3A_689 = vector.shape_cast %div3A_685 : vector<16xf32> to vector<16xf32>
    tpu.vector_store %arg6[%swap3A_686], %swap3A_689 {strides = array<i32>} : memref<640xf32, #tpu.memory_space<vmem>>, vector<16xf32>,
    %get3A_690 = arith.constant 576 : index
    %get3A_691 = tpu.vector_load %arg6[%get3A_690] {strides = array<i32>} : memref<640xf32, #tpu.memory_space<vmem>>, vector<16xf32>,
    %get3A_692 = vector.shape_cast %get3A_691 : vector<16xf32> to vector<16xf32>
    %get3A_693 = arith.constant 576 : index
    %get3A_694 = tpu.vector_load %arg7[%get3A_693] {strides = array<i32>} : memref<640xf32, #tpu.memory_space<vmem>>, vector<16xf32>,
    %get3A_695 = vector.shape_cast %get3A_694 : vector<16xf32> to vector<16xf32>
    %add3A_696 = arith.addf %get3A_692, %get3A_695 : vector<16xf32>
    %max3A_697 = arith.maximumf %add3A_696, %broadcast_in_dim3A_224 : vector<16xf32>
    %div3A_698 = arith.divf %broadcast_in_dim3A_224, %max3A_697 : vector<16xf32>
    %swap3A_699 = arith.constant 576 : index
    %swap3A_700 = tpu.vector_load %arg6[%swap3A_699] {strides = array<i32>} : memref<640xf32, #tpu.memory_space<vmem>>, vector<16xf32>,
    %swap3A_701 = vector.shape_cast %swap3A_700 : vector<16xf32> to vector<16xf32>
    %swap3A_702 = vector.shape_cast %div3A_698 : vector<16xf32> to vector<16xf32>
    tpu.vector_store %arg6[%swap3A_699], %swap3A_702 {strides = array<i32>} : memref<640xf32, #tpu.memory_space<vmem>>, vector<16xf32>,
    %get3A_703 = arith.constant 592 : index
    %get3A_704 = tpu.vector_load %arg6[%get3A_703] {strides = array<i32>} : memref<640xf32, #tpu.memory_space<vmem>>, vector<16xf32>,
    %get3A_705 = vector.shape_cast %get3A_704 : vector<16xf32> to vector<16xf32>
    %get3A_706 = arith.constant 592 : index
    %get3A_707 = tpu.vector_load %arg7[%get3A_706] {strides = array<i32>} : memref<640xf32, #tpu.memory_space<vmem>>, vector<16xf32>,
    %get3A_708 = vector.shape_cast %get3A_707 : vector<16xf32> to vector<16xf32>
    %add3A_709 = arith.addf %get3A_705, %get3A_708 : vector<16xf32>
    %max3A_710 = arith.maximumf %add3A_709, %broadcast_in_dim3A_224 : vector<16xf32>
    %div3A_711 = arith.divf %broadcast_in_dim3A_224, %max3A_710 : vector<16xf32>
    %swap3A_712 = arith.constant 592 : index
    %swap3A_713 = tpu.vector_load %arg6[%swap3A_712] {strides = array<i32>} : memref<640xf32, #tpu.memory_space<vmem>>, vector<16xf32>,
    %swap3A_714 = vector.shape_cast %swap3A_713 : vector<16xf32> to vector<16xf32>
    %swap3A_715 = vector.shape_cast %div3A_711 : vector<16xf32> to vector<16xf32>
    tpu.vector_store %arg6[%swap3A_712], %swap3A_715 {strides = array<i32>} : memref<640xf32, #tpu.memory_space<vmem>>, vector<16xf32>,
    %get3A_716 = arith.constant 608 : index
    %get3A_717 = tpu.vector_load %arg6[%get3A_716] {strides = array<i32>} : memref<640xf32, #tpu.memory_space<vmem>>, vector<16xf32>,
    %get3A_718 = vector.shape_cast %get3A_717 : vector<16xf32> to vector<16xf32>
    %get3A_719 = arith.constant 608 : index
    %get3A_720 = tpu.vector_load %arg7[%get3A_719] {strides = array<i32>} : memref<640xf32, #tpu.memory_space<vmem>>, vector<16xf32>,
    %get3A_721 = vector.shape_cast %get3A_720 : vector<16xf32> to vector<16xf32>
    %add3A_722 = arith.addf %get3A_718, %get3A_721 : vector<16xf32>
    %max3A_723 = arith.maximumf %add3A_722, %broadcast_in_dim3A_224 : vector<16xf32>
    %div3A_724 = arith.divf %broadcast_in_dim3A_224, %max3A_723 : vector<16xf32>
    %swap3A_725 = arith.constant 608 : index
    %swap3A_726 = tpu.vector_load %arg6[%swap3A_725] {strides = array<i32>} : memref<640xf32, #tpu.memory_space<vmem>>, vector<16xf32>,
    %swap3A_727 = vector.shape_cast %swap3A_726 : vector<16xf32> to vector<16xf32>
    %swap3A_728 = vector.shape_cast %div3A_724 : vector<16xf32> to vector<16xf32>
    tpu.vector_store %arg6[%swap3A_725], %swap3A_728 {strides = array<i32>} : memref<640xf32, #tpu.memory_space<vmem>>, vector<16xf32>,
    %get3A_729 = arith.constant 624 : index
    %get3A_730 = tpu.vector_load %arg6[%get3A_729] {strides = array<i32>} : memref<640xf32, #tpu.memory_space<vmem>>, vector<16xf32>,
    %get3A_731 = vector.shape_cast %get3A_730 : vector<16xf32> to vector<16xf32>
    %get3A_732 = arith.constant 624 : index
    %get3A_733 = tpu.vector_load %arg7[%get3A_732] {strides = array<i32>} : memref<640xf32, #tpu.memory_space<vmem>>, vector<16xf32>,
    %get3A_734 = vector.shape_cast %get3A_733 : vector<16xf32> to vector<16xf32>
    %add3A_735 = arith.addf %get3A_731, %get3A_734 : vector<16xf32>
    %max3A_736 = arith.maximumf %add3A_735, %broadcast_in_dim3A_224 : vector<16xf32>
    %div3A_737 = arith.divf %broadcast_in_dim3A_224, %max3A_736 : vector<16xf32>
    %swap3A_738 = arith.constant 624 : index
    %swap3A_739 = tpu.vector_load %arg6[%swap3A_738] {strides = array<i32>} : memref<640xf32, #tpu.memory_space<vmem>>, vector<16xf32>,
    %swap3A_740 = vector.shape_cast %swap3A_739 : vector<16xf32> to vector<16xf32>
    %swap3A_741 = vector.shape_cast %div3A_737 : vector<16xf32> to vector<16xf32>
    tpu.vector_store %arg6[%swap3A_738], %swap3A_741 {strides = array<i32>} : memref<640xf32, #tpu.memory_space<vmem>>, vector<16xf32>,
    %mul3A_742 = arith.constant 640 : i32
    %mul3A_743 = arith.muli %arg1, %mul3A_742 : i32
    "tpu.region"() ({
      %run_scoped3A = tpu.sem_alloc : memref<!tpu.dma_semaphore, #tpu.memory_space<semaphore_mem>>
      %dma_start3A_804 = tpu.memref_slice %arg11[%mul3A_743] : memref<10240xf32, #tpu.memory_space<vmem_shared>> -> memref<640xf32, #tpu.memory_space<vmem_shared>>
      %dma_start3A_805 = tpu.memref_slice %arg11[%mul3A_743] : memref<10240xf32, #tpu.memory_space<vmem_shared>> -> memref<640xf32, #tpu.memory_space<vmem_shared>>
      tpu.enqueue_dma source(%arg6 : memref<640xf32, #tpu.memory_space<vmem>>) target(%dma_start3A_805 : memref<640xf32, #tpu.memory_space<vmem_shared>>) target_semaphore(%run_scoped3A : memref<!tpu.dma_semaphore, #tpu.memory_space<semaphore_mem>>)
      %dma_wait3A_806 = tpu.memref_slice %arg11[%mul3A_743] : memref<10240xf32, #tpu.memory_space<vmem_shared>> -> memref<640xf32, #tpu.memory_space<vmem_shared>>
      %dma_wait3A_807 = tpu.memref_slice %arg11[%mul3A_743] : memref<10240xf32, #tpu.memory_space<vmem_shared>> -> memref<640xf32, #tpu.memory_space<vmem_shared>>
      tpu.wait_dma2 semaphore(%run_scoped3A : memref<!tpu.dma_semaphore, #tpu.memory_space<semaphore_mem>>) src(%arg6 : memref<640xf32, #tpu.memory_space<vmem>>) dst(%dma_wait3A_807 : memref<640xf32, #tpu.memory_space<vmem_shared>>)
      tpu.yield
    }) : () -> ()
    %add3A_744 = arith.constant 320000 : i32
    %add3A_745 = arith.addi %add3A_744, %mul3A_10 : i32
    %dma_wait3A_746 = arith.constant 0 : i32
    %dma_wait3A_747 = tpu.memref_slice %arg9[%dma_wait3A_746] : memref<10112xi32, #tpu.memory_space<vmem>> -> memref<9984xi32, #tpu.memory_space<vmem>>
    %dma_wait3A_748 = tpu.memref_slice %arg2[%add3A_745] : memref<640000xi32, #tpu.memory_space<hbm>> -> memref<9984xi32, #tpu.memory_space<hbm>>
    %dma_wait3A_749 = arith.constant 0 : i32
    %dma_wait3A_750 = tpu.memref_slice %arg9[%dma_wait3A_749] : memref<10112xi32, #tpu.memory_space<vmem>> -> memref<9984xi32, #tpu.memory_space<vmem>>
    %dma_wait3A_751 = tpu.memref_slice %arg2[%add3A_745] : memref<640000xi32, #tpu.memory_space<hbm>> -> memref<9984xi32, #tpu.memory_space<hbm>>
    tpu.wait_dma2 semaphore(%arg13 : memref<!tpu.dma_semaphore, #tpu.memory_space<semaphore_mem>>) src(%dma_wait3A_751 : memref<9984xi32, #tpu.memory_space<hbm>>) dst(%dma_wait3A_750 : memref<9984xi32, #tpu.memory_space<vmem>>)
    %lt3A_752 = arith.constant 4 : i32
    %lt3A_753 = arith.cmpi slt, %add3A, %lt3A_752 : i32
    %convert_element_type3A_754 = arith.extui %lt3A_753 : i1 to i32
    %cond3A_755 = arith.constant 0 : i32
    %cond3A_756 = arith.cmpi ne, %convert_element_type3A_754, %cond3A_755 : i32
    scf.if %cond3A_756 {
      %add3A_804 = arith.constant 320000 : i32
      %add3A_805 = arith.addi %add3A_804, %mul3A_10 : i32
      %add3A_806 = arith.constant 9984 : i32
      %add3A_807 = arith.addi %add3A_805, %add3A_806 : i32
      %dma_wait3A_808 = arith.constant 9984 : i32
      %dma_wait3A_809 = tpu.memref_slice %arg9[%dma_wait3A_808] : memref<10112xi32, #tpu.memory_space<vmem>> -> memref<128xi32, #tpu.memory_space<vmem>>
      %dma_wait3A_810 = tpu.memref_slice %arg2[%add3A_807] : memref<640000xi32, #tpu.memory_space<hbm>> -> memref<128xi32, #tpu.memory_space<hbm>>
      %dma_wait3A_811 = arith.constant 9984 : i32
      %dma_wait3A_812 = tpu.memref_slice %arg9[%dma_wait3A_811] : memref<10112xi32, #tpu.memory_space<vmem>> -> memref<128xi32, #tpu.memory_space<vmem>>
      %dma_wait3A_813 = tpu.memref_slice %arg2[%add3A_807] : memref<640000xi32, #tpu.memory_space<hbm>> -> memref<128xi32, #tpu.memory_space<hbm>>
      tpu.wait_dma2 semaphore(%arg13 : memref<!tpu.dma_semaphore, #tpu.memory_space<semaphore_mem>>) src(%dma_wait3A_813 : memref<128xi32, #tpu.memory_space<hbm>>) dst(%dma_wait3A_812 : memref<128xi32, #tpu.memory_space<vmem>>)
    } else {
    }
    %add3A_757 = arith.constant 0 : i32
    %add3A_758 = arith.addi %add3A_757, %mul3A_10 : i32
    %dma_wait3A_759 = arith.constant 0 : i32
    %dma_wait3A_760 = tpu.memref_slice %arg10[%dma_wait3A_759] : memref<10112xi32, #tpu.memory_space<vmem>> -> memref<9984xi32, #tpu.memory_space<vmem>>
    %dma_wait3A_761 = tpu.memref_slice %arg2[%add3A_758] : memref<640000xi32, #tpu.memory_space<hbm>> -> memref<9984xi32, #tpu.memory_space<hbm>>
    %dma_wait3A_762 = arith.constant 0 : i32
    %dma_wait3A_763 = tpu.memref_slice %arg10[%dma_wait3A_762] : memref<10112xi32, #tpu.memory_space<vmem>> -> memref<9984xi32, #tpu.memory_space<vmem>>
    %dma_wait3A_764 = tpu.memref_slice %arg2[%add3A_758] : memref<640000xi32, #tpu.memory_space<hbm>> -> memref<9984xi32, #tpu.memory_space<hbm>>
    tpu.wait_dma2 semaphore(%arg13 : memref<!tpu.dma_semaphore, #tpu.memory_space<semaphore_mem>>) src(%dma_wait3A_764 : memref<9984xi32, #tpu.memory_space<hbm>>) dst(%dma_wait3A_763 : memref<9984xi32, #tpu.memory_space<vmem>>)
    %lt3A_765 = arith.constant 4 : i32
    %lt3A_766 = arith.cmpi slt, %add3A, %lt3A_765 : i32
    %convert_element_type3A_767 = arith.extui %lt3A_766 : i1 to i32
    %cond3A_768 = arith.constant 0 : i32
    %cond3A_769 = arith.cmpi ne, %convert_element_type3A_767, %cond3A_768 : i32
    scf.if %cond3A_769 {
      %add3A_804 = arith.constant 0 : i32
      %add3A_805 = arith.addi %add3A_804, %mul3A_10 : i32
      %add3A_806 = arith.constant 9984 : i32
      %add3A_807 = arith.addi %add3A_805, %add3A_806 : i32
      %dma_wait3A_808 = arith.constant 9984 : i32
      %dma_wait3A_809 = tpu.memref_slice %arg10[%dma_wait3A_808] : memref<10112xi32, #tpu.memory_space<vmem>> -> memref<128xi32, #tpu.memory_space<vmem>>
      %dma_wait3A_810 = tpu.memref_slice %arg2[%add3A_807] : memref<640000xi32, #tpu.memory_space<hbm>> -> memref<128xi32, #tpu.memory_space<hbm>>
      %dma_wait3A_811 = arith.constant 9984 : i32
      %dma_wait3A_812 = tpu.memref_slice %arg10[%dma_wait3A_811] : memref<10112xi32, #tpu.memory_space<vmem>> -> memref<128xi32, #tpu.memory_space<vmem>>
      %dma_wait3A_813 = tpu.memref_slice %arg2[%add3A_807] : memref<640000xi32, #tpu.memory_space<hbm>> -> memref<128xi32, #tpu.memory_space<hbm>>
      tpu.wait_dma2 semaphore(%arg13 : memref<!tpu.dma_semaphore, #tpu.memory_space<semaphore_mem>>) src(%dma_wait3A_813 : memref<128xi32, #tpu.memory_space<hbm>>) dst(%dma_wait3A_812 : memref<128xi32, #tpu.memory_space<vmem>>)
    } else {
    }
    %barrier3A = arith.constant 0 : index
    tpu.barrier barrier_id(%barrier3A)
    %while3A = arith.constant 0 : i32
    %while3A_770 = arith.constant 0 : i32
    %while3A_771 = arith.subi %add3A_4, %while3A_770 : i32
    %while3A_772 = arith.addi %while3A_770, %while3A_771 : i32
    %while3A_773 = arith.constant 1 : i32
    %while3A_774 = arith.divsi %while3A_771, %while3A_773 : i32
    %while3A_775 = arith.muli %while3A_774, %while3A_773 : i32
    %while3A_776 = arith.addi %while3A_770, %while3A_775 : i32
    %while3A_777 = arith.constant 1 : i32
    scf.for %while3A_804 = %while3A_770 to %while3A_776 step %while3A_777  : i32 {
      %mul3A_805 = arith.constant 128 : i32
      %mul3A_806 = arith.muli %while3A_804, %mul3A_805 : i32
      %mul3A_807 = arith.constant 128 : i32
      %mul3A_808 = arith.muli %while3A_804, %mul3A_807 : i32
      %dma_start3A_809 = tpu.memref_slice %arg8[%mul3A_808] : memref<10112xf32, #tpu.memory_space<vmem>> -> memref<128xf32, #tpu.memory_space<vmem>>
      %dma_start3A_810 = tpu.memref_slice %arg9[%mul3A_806] : memref<10112xi32, #tpu.memory_space<vmem>> -> memref<128xi32, #tpu.memory_space<vmem>>
      %dma_start3A_811 = arith.constant 0 : i32
      %dma_start3A_812 = tpu.memref_slice %arg11[%dma_start3A_811] : memref<10240xf32, #tpu.memory_space<vmem_shared>> -> memref<10240xf32, #tpu.memory_space<vmem_shared>>
      tpu.enqueue_indirect_dma source(%dma_start3A_812 : memref<10240xf32, #tpu.memory_space<vmem_shared>>) target(%dma_start3A_809 : memref<128xf32, #tpu.memory_space<vmem>>) offsets(%dma_start3A_810 : memref<128xi32, #tpu.memory_space<vmem>>) semaphore(%arg15 : memref<!tpu.dma_semaphore, #tpu.memory_space<semaphore_mem>>)
    }
    %while3A_778 = arith.constant 1 : i32
    scf.for %while3A_804 = %while3A_776 to %while3A_772 step %while3A_778  : i32 {
      %mul3A_805 = arith.constant 128 : i32
      %mul3A_806 = arith.muli %while3A_804, %mul3A_805 : i32
      %mul3A_807 = arith.constant 128 : i32
      %mul3A_808 = arith.muli %while3A_804, %mul3A_807 : i32
      %dma_start3A_809 = tpu.memref_slice %arg8[%mul3A_808] : memref<10112xf32, #tpu.memory_space<vmem>> -> memref<128xf32, #tpu.memory_space<vmem>>
      %dma_start3A_810 = tpu.memref_slice %arg9[%mul3A_806] : memref<10112xi32, #tpu.memory_space<vmem>> -> memref<128xi32, #tpu.memory_space<vmem>>
      %dma_start3A_811 = arith.constant 0 : i32
      %dma_start3A_812 = tpu.memref_slice %arg11[%dma_start3A_811] : memref<10240xf32, #tpu.memory_space<vmem_shared>> -> memref<10240xf32, #tpu.memory_space<vmem_shared>>
      tpu.enqueue_indirect_dma source(%dma_start3A_812 : memref<10240xf32, #tpu.memory_space<vmem_shared>>) target(%dma_start3A_809 : memref<128xf32, #tpu.memory_space<vmem>>) offsets(%dma_start3A_810 : memref<128xi32, #tpu.memory_space<vmem>>) semaphore(%arg15 : memref<!tpu.dma_semaphore, #tpu.memory_space<semaphore_mem>>)
    }
    %while3A_779 = arith.constant 0 : i32
    %while3A_780 = arith.constant 0 : i32
    %while3A_781 = arith.subi %add3A_4, %while3A_780 : i32
    %while3A_782 = arith.addi %while3A_780, %while3A_781 : i32
    %while3A_783 = arith.constant 1 : i32
    %while3A_784 = arith.divsi %while3A_781, %while3A_783 : i32
    %while3A_785 = arith.muli %while3A_784, %while3A_783 : i32
    %while3A_786 = arith.addi %while3A_780, %while3A_785 : i32
    %while3A_787 = arith.constant 1 : i32
    scf.for %while3A_804 = %while3A_780 to %while3A_786 step %while3A_787  : i32 {
      %mul3A_805 = arith.constant 128 : i32
      %mul3A_806 = arith.muli %while3A_804, %mul3A_805 : i32
      %mul3A_807 = arith.constant 128 : i32
      %mul3A_808 = arith.muli %while3A_804, %mul3A_807 : i32
      %dma_wait3A_809 = tpu.memref_slice %arg8[%mul3A_808] : memref<10112xf32, #tpu.memory_space<vmem>> -> memref<128xf32, #tpu.memory_space<vmem>>
      %dma_wait3A_810 = tpu.memref_slice %arg9[%mul3A_806] : memref<10112xi32, #tpu.memory_space<vmem>> -> memref<128xi32, #tpu.memory_space<vmem>>
      %dma_wait3A_811 = arith.constant 0 : i32
      %dma_wait3A_812 = tpu.memref_slice %arg11[%dma_wait3A_811] : memref<10240xf32, #tpu.memory_space<vmem_shared>> -> memref<10240xf32, #tpu.memory_space<vmem_shared>>
      tpu.wait_indirect_dma semaphore(%arg15 : memref<!tpu.dma_semaphore, #tpu.memory_space<semaphore_mem>>) src(%dma_wait3A_812 : memref<10240xf32, #tpu.memory_space<vmem_shared>>) dst(%dma_wait3A_809 : memref<128xf32, #tpu.memory_space<vmem>>)
      %mul3A_813 = arith.constant 128 : i32
      %mul3A_814 = arith.muli %while3A_804, %mul3A_813 : i32
      %mul3A_815 = arith.constant 128 : i32
      %mul3A_816 = arith.muli %while3A_804, %mul3A_815 : i32
      %dma_start3A_817 = tpu.memref_slice %arg8[%mul3A_814] : memref<10112xf32, #tpu.memory_space<vmem>> -> memref<128xf32, #tpu.memory_space<vmem>>
      %dma_start3A_818 = tpu.memref_slice %arg10[%mul3A_816] : memref<10112xi32, #tpu.memory_space<vmem>> -> memref<128xi32, #tpu.memory_space<vmem>>
      %dma_start3A_819 = arith.constant 0 : i32
      %dma_start3A_820 = tpu.memref_slice %arg12[%dma_start3A_819] : memref<10240xf32, #tpu.memory_space<vmem_shared>> -> memref<10240xf32, #tpu.memory_space<vmem_shared>>
      tpu.enqueue_indirect_dma source(%dma_start3A_817 : memref<128xf32, #tpu.memory_space<vmem>>) target(%dma_start3A_820 : memref<10240xf32, #tpu.memory_space<vmem_shared>>) offsets(%dma_start3A_818 : memref<128xi32, #tpu.memory_space<vmem>>) semaphore(%arg16 : memref<!tpu.dma_semaphore, #tpu.memory_space<semaphore_mem>>) {add = true}
    }
    %while3A_788 = arith.constant 1 : i32
    scf.for %while3A_804 = %while3A_786 to %while3A_782 step %while3A_788  : i32 {
      %mul3A_805 = arith.constant 128 : i32
      %mul3A_806 = arith.muli %while3A_804, %mul3A_805 : i32
      %mul3A_807 = arith.constant 128 : i32
      %mul3A_808 = arith.muli %while3A_804, %mul3A_807 : i32
      %dma_wait3A_809 = tpu.memref_slice %arg8[%mul3A_808] : memref<10112xf32, #tpu.memory_space<vmem>> -> memref<128xf32, #tpu.memory_space<vmem>>
      %dma_wait3A_810 = tpu.memref_slice %arg9[%mul3A_806] : memref<10112xi32, #tpu.memory_space<vmem>> -> memref<128xi32, #tpu.memory_space<vmem>>
      %dma_wait3A_811 = arith.constant 0 : i32
      %dma_wait3A_812 = tpu.memref_slice %arg11[%dma_wait3A_811] : memref<10240xf32, #tpu.memory_space<vmem_shared>> -> memref<10240xf32, #tpu.memory_space<vmem_shared>>
      tpu.wait_indirect_dma semaphore(%arg15 : memref<!tpu.dma_semaphore, #tpu.memory_space<semaphore_mem>>) src(%dma_wait3A_812 : memref<10240xf32, #tpu.memory_space<vmem_shared>>) dst(%dma_wait3A_809 : memref<128xf32, #tpu.memory_space<vmem>>)
      %mul3A_813 = arith.constant 128 : i32
      %mul3A_814 = arith.muli %while3A_804, %mul3A_813 : i32
      %mul3A_815 = arith.constant 128 : i32
      %mul3A_816 = arith.muli %while3A_804, %mul3A_815 : i32
      %dma_start3A_817 = tpu.memref_slice %arg8[%mul3A_814] : memref<10112xf32, #tpu.memory_space<vmem>> -> memref<128xf32, #tpu.memory_space<vmem>>
      %dma_start3A_818 = tpu.memref_slice %arg10[%mul3A_816] : memref<10112xi32, #tpu.memory_space<vmem>> -> memref<128xi32, #tpu.memory_space<vmem>>
      %dma_start3A_819 = arith.constant 0 : i32
      %dma_start3A_820 = tpu.memref_slice %arg12[%dma_start3A_819] : memref<10240xf32, #tpu.memory_space<vmem_shared>> -> memref<10240xf32, #tpu.memory_space<vmem_shared>>
      tpu.enqueue_indirect_dma source(%dma_start3A_817 : memref<128xf32, #tpu.memory_space<vmem>>) target(%dma_start3A_820 : memref<10240xf32, #tpu.memory_space<vmem_shared>>) offsets(%dma_start3A_818 : memref<128xi32, #tpu.memory_space<vmem>>) semaphore(%arg16 : memref<!tpu.dma_semaphore, #tpu.memory_space<semaphore_mem>>) {add = true}
    }
    %while3A_789 = arith.constant 0 : i32
    %while3A_790 = arith.constant 0 : i32
    %while3A_791 = arith.subi %add3A_4, %while3A_790 : i32
    %while3A_792 = arith.addi %while3A_790, %while3A_791 : i32
    %while3A_793 = arith.constant 1 : i32
    %while3A_794 = arith.divsi %while3A_791, %while3A_793 : i32
    %while3A_795 = arith.muli %while3A_794, %while3A_793 : i32
    %while3A_796 = arith.addi %while3A_790, %while3A_795 : i32
    %while3A_797 = arith.constant 1 : i32
    scf.for %while3A_804 = %while3A_790 to %while3A_796 step %while3A_797  : i32 {
      %mul3A_805 = arith.constant 128 : i32
      %mul3A_806 = arith.muli %while3A_804, %mul3A_805 : i32
      %mul3A_807 = arith.constant 128 : i32
      %mul3A_808 = arith.muli %while3A_804, %mul3A_807 : i32
      %dma_wait3A_809 = tpu.memref_slice %arg8[%mul3A_806] : memref<10112xf32, #tpu.memory_space<vmem>> -> memref<128xf32, #tpu.memory_space<vmem>>
      %dma_wait3A_810 = tpu.memref_slice %arg10[%mul3A_808] : memref<10112xi32, #tpu.memory_space<vmem>> -> memref<128xi32, #tpu.memory_space<vmem>>
      %dma_wait3A_811 = arith.constant 0 : i32
      %dma_wait3A_812 = tpu.memref_slice %arg12[%dma_wait3A_811] : memref<10240xf32, #tpu.memory_space<vmem_shared>> -> memref<10240xf32, #tpu.memory_space<vmem_shared>>
      tpu.wait_indirect_dma semaphore(%arg16 : memref<!tpu.dma_semaphore, #tpu.memory_space<semaphore_mem>>) src(%dma_wait3A_809 : memref<128xf32, #tpu.memory_space<vmem>>) dst(%dma_wait3A_812 : memref<10240xf32, #tpu.memory_space<vmem_shared>>)
    }
    %while3A_798 = arith.constant 1 : i32
    scf.for %while3A_804 = %while3A_796 to %while3A_792 step %while3A_798  : i32 {
      %mul3A_805 = arith.constant 128 : i32
      %mul3A_806 = arith.muli %while3A_804, %mul3A_805 : i32
      %mul3A_807 = arith.constant 128 : i32
      %mul3A_808 = arith.muli %while3A_804, %mul3A_807 : i32
      %dma_wait3A_809 = tpu.memref_slice %arg8[%mul3A_806] : memref<10112xf32, #tpu.memory_space<vmem>> -> memref<128xf32, #tpu.memory_space<vmem>>
      %dma_wait3A_810 = tpu.memref_slice %arg10[%mul3A_808] : memref<10112xi32, #tpu.memory_space<vmem>> -> memref<128xi32, #tpu.memory_space<vmem>>
      %dma_wait3A_811 = arith.constant 0 : i32
      %dma_wait3A_812 = tpu.memref_slice %arg12[%dma_wait3A_811] : memref<10240xf32, #tpu.memory_space<vmem_shared>> -> memref<10240xf32, #tpu.memory_space<vmem_shared>>
      tpu.wait_indirect_dma semaphore(%arg16 : memref<!tpu.dma_semaphore, #tpu.memory_space<semaphore_mem>>) src(%dma_wait3A_809 : memref<128xf32, #tpu.memory_space<vmem>>) dst(%dma_wait3A_812 : memref<10240xf32, #tpu.memory_space<vmem_shared>>)
    }
    %barrier3A_799 = arith.constant 0 : index
    tpu.barrier barrier_id(%barrier3A_799)
    %mul3A_800 = arith.constant 640 : i32
    %mul3A_801 = arith.muli %arg1, %mul3A_800 : i32
    "tpu.region"() ({
      %run_scoped3A = tpu.sem_alloc : memref<!tpu.dma_semaphore, #tpu.memory_space<semaphore_mem>>
      %dma_start3A_804 = tpu.memref_slice %arg12[%mul3A_801] : memref<10240xf32, #tpu.memory_space<vmem_shared>> -> memref<640xf32, #tpu.memory_space<vmem_shared>>
      %dma_start3A_805 = tpu.memref_slice %arg12[%mul3A_801] : memref<10240xf32, #tpu.memory_space<vmem_shared>> -> memref<640xf32, #tpu.memory_space<vmem_shared>>
      tpu.enqueue_dma source(%dma_start3A_805 : memref<640xf32, #tpu.memory_space<vmem_shared>>) target(%arg5 : memref<640xf32, #tpu.memory_space<vmem>>) target_semaphore(%run_scoped3A : memref<!tpu.dma_semaphore, #tpu.memory_space<semaphore_mem>>)
      %dma_wait3A_806 = tpu.memref_slice %arg12[%mul3A_801] : memref<10240xf32, #tpu.memory_space<vmem_shared>> -> memref<640xf32, #tpu.memory_space<vmem_shared>>
      %dma_wait3A_807 = tpu.memref_slice %arg12[%mul3A_801] : memref<10240xf32, #tpu.memory_space<vmem_shared>> -> memref<640xf32, #tpu.memory_space<vmem_shared>>
      tpu.wait_dma2 semaphore(%run_scoped3A : memref<!tpu.dma_semaphore, #tpu.memory_space<semaphore_mem>>) src(%dma_wait3A_807 : memref<640xf32, #tpu.memory_space<vmem_shared>>) dst(%arg5 : memref<640xf32, #tpu.memory_space<vmem>>)
      tpu.yield
    }) : () -> ()
    %mul3A_802 = arith.constant 640 : i32
    %mul3A_803 = arith.muli %arg1, %mul3A_802 : i32
    "tpu.region"() ({
      %run_scoped3A = tpu.sem_alloc : memref<!tpu.dma_semaphore, #tpu.memory_space<semaphore_mem>>
      %dma_start3A_804 = tpu.memref_slice %arg4[%arg0, %mul3A_803] : memref<2x10240xf32, #tpu.memory_space<hbm>> -> memref<1x640xf32, #tpu.memory_space<hbm>>
      %dma_start3A_805 = tpu.memref_squeeze %dma_start3A_804 : memref<1x640xf32, #tpu.memory_space<hbm>> -> memref<640xf32, #tpu.memory_space<hbm>>
      %dma_start3A_806 = tpu.memref_slice %arg4[%arg0, %mul3A_803] : memref<2x10240xf32, #tpu.memory_space<hbm>> -> memref<1x640xf32, #tpu.memory_space<hbm>>
      %dma_start3A_807 = tpu.memref_squeeze %dma_start3A_806 : memref<1x640xf32, #tpu.memory_space<hbm>> -> memref<640xf32, #tpu.memory_space<hbm>>
      tpu.enqueue_dma source(%arg5 : memref<640xf32, #tpu.memory_space<vmem>>) target(%dma_start3A_807 : memref<640xf32, #tpu.memory_space<hbm>>) target_semaphore(%run_scoped3A : memref<!tpu.dma_semaphore, #tpu.memory_space<semaphore_mem>>)
      %dma_wait3A_808 = tpu.memref_slice %arg4[%arg0, %mul3A_803] : memref<2x10240xf32, #tpu.memory_space<hbm>> -> memref<1x640xf32, #tpu.memory_space<hbm>>
      %dma_wait3A_809 = tpu.memref_squeeze %dma_wait3A_808 : memref<1x640xf32, #tpu.memory_space<hbm>> -> memref<640xf32, #tpu.memory_space<hbm>>
      %dma_wait3A_810 = tpu.memref_slice %arg4[%arg0, %mul3A_803] : memref<2x10240xf32, #tpu.memory_space<hbm>> -> memref<1x640xf32, #tpu.memory_space<hbm>>
      %dma_wait3A_811 = tpu.memref_squeeze %dma_wait3A_810 : memref<1x640xf32, #tpu.memory_space<hbm>> -> memref<640xf32, #tpu.memory_space<hbm>>
      tpu.wait_dma2 semaphore(%run_scoped3A : memref<!tpu.dma_semaphore, #tpu.memory_space<semaphore_mem>>) src(%arg5 : memref<640xf32, #tpu.memory_space<vmem>>) dst(%dma_wait3A_811 : memref<640xf32, #tpu.memory_space<hbm>>)
      tpu.yield
    }) : () -> ()
    return
  }
}

#map = affine_map<(d0, d1) -> (0)>
#map1 = affine_map<(d0, d1) -> (0, 0)>
module attributes {stable_mosaic.version = 14 : i64} {
  func.func @_deg_kernel(%arg0: i32, %arg1: i32, %arg2: memref<640000xi32, #tpu.memory_space<hbm>>, %arg3: memref<2x10240xf32, #tpu.memory_space<hbm>>, %arg4: memref<640xf32, #tpu.memory_space<vmem>>, %arg5: memref<128xf32, #tpu.memory_space<vmem>>, %arg6: memref<10112xi32, #tpu.memory_space<vmem>>, %arg7: memref<10240xf32, #tpu.memory_space<vmem_shared>>, %arg8: memref<!tpu.dma_semaphore, #tpu.memory_space<semaphore_mem>>, %arg9: memref<!tpu.dma_semaphore, #tpu.memory_space<semaphore_mem>>) attributes {dimension_semantics = [#tpu.dimension_semantics<core_parallel>, #tpu.dimension_semantics<subcore_parallel>], iteration_bounds = array<i64: 2, 16>, scalar_prefetch = 0 : i64, scratch_operands = 6 : i64, tpu.core_type = #tpu.core_type<sc_vector_subcore>, window_params = [{transform_indices = #map}, {transform_indices = #map1}]} {
    %mul3A = arith.constant 16 : i32
    %mul3A_0 = arith.muli %arg0, %mul3A : i32
    %add3A = arith.addi %mul3A_0, %arg1 : i32
    %lt3A = arith.constant 4 : i32
    %lt3A_1 = arith.cmpi slt, %add3A, %lt3A : i32
    %jit3A = arith.constant 1 : i32
    %jit3A_2 = arith.constant 0 : i32
    %select_n3A = arith.select %lt3A_1, %jit3A, %jit3A_2 : i32
    %add3A_3 = arith.constant 78 : i32
    %add3A_4 = arith.addi %add3A_3, %select_n3A : i32
    %mul3A_5 = arith.constant 78 : i32
    %mul3A_6 = arith.muli %add3A, %mul3A_5 : i32
    %min3A = arith.constant 4 : i32
    %min3A_7 = arith.minsi %add3A, %min3A : i32
    %add3A_8 = arith.addi %mul3A_6, %min3A_7 : i32
    %mul3A_9 = arith.constant 128 : i32
    %mul3A_10 = arith.muli %add3A_8, %mul3A_9 : i32
    %add3A_11 = arith.constant 320000 : i32
    %add3A_12 = arith.addi %add3A_11, %mul3A_10 : i32
    %dma_start3A = arith.constant 0 : i32
    %dma_start3A_13 = tpu.memref_slice %arg6[%dma_start3A] : memref<10112xi32, #tpu.memory_space<vmem>> -> memref<9984xi32, #tpu.memory_space<vmem>>
    %dma_start3A_14 = tpu.memref_slice %arg2[%add3A_12] : memref<640000xi32, #tpu.memory_space<hbm>> -> memref<9984xi32, #tpu.memory_space<hbm>>
    %dma_start3A_15 = arith.constant 0 : i32
    %dma_start3A_16 = tpu.memref_slice %arg6[%dma_start3A_15] : memref<10112xi32, #tpu.memory_space<vmem>> -> memref<9984xi32, #tpu.memory_space<vmem>>
    %dma_start3A_17 = tpu.memref_slice %arg2[%add3A_12] : memref<640000xi32, #tpu.memory_space<hbm>> -> memref<9984xi32, #tpu.memory_space<hbm>>
    tpu.enqueue_dma source(%dma_start3A_17 : memref<9984xi32, #tpu.memory_space<hbm>>) target(%dma_start3A_16 : memref<9984xi32, #tpu.memory_space<vmem>>) target_semaphore(%arg8 : memref<!tpu.dma_semaphore, #tpu.memory_space<semaphore_mem>>)
    %lt3A_18 = arith.constant 4 : i32
    %lt3A_19 = arith.cmpi slt, %add3A, %lt3A_18 : i32
    %convert_element_type3A = arith.extui %lt3A_19 : i1 to i32
    %cond3A = arith.constant 0 : i32
    %cond3A_20 = arith.cmpi ne, %convert_element_type3A, %cond3A : i32
    scf.if %cond3A_20 {
      %add3A_267 = arith.constant 320000 : i32
      %add3A_268 = arith.addi %add3A_267, %mul3A_10 : i32
      %add3A_269 = arith.constant 9984 : i32
      %add3A_270 = arith.addi %add3A_268, %add3A_269 : i32
      %dma_start3A_271 = arith.constant 9984 : i32
      %dma_start3A_272 = tpu.memref_slice %arg6[%dma_start3A_271] : memref<10112xi32, #tpu.memory_space<vmem>> -> memref<128xi32, #tpu.memory_space<vmem>>
      %dma_start3A_273 = tpu.memref_slice %arg2[%add3A_270] : memref<640000xi32, #tpu.memory_space<hbm>> -> memref<128xi32, #tpu.memory_space<hbm>>
      %dma_start3A_274 = arith.constant 9984 : i32
      %dma_start3A_275 = tpu.memref_slice %arg6[%dma_start3A_274] : memref<10112xi32, #tpu.memory_space<vmem>> -> memref<128xi32, #tpu.memory_space<vmem>>
      %dma_start3A_276 = tpu.memref_slice %arg2[%add3A_270] : memref<640000xi32, #tpu.memory_space<hbm>> -> memref<128xi32, #tpu.memory_space<hbm>>
      tpu.enqueue_dma source(%dma_start3A_276 : memref<128xi32, #tpu.memory_space<hbm>>) target(%dma_start3A_275 : memref<128xi32, #tpu.memory_space<vmem>>) target_semaphore(%arg8 : memref<!tpu.dma_semaphore, #tpu.memory_space<semaphore_mem>>)
    } else {
    }
    %broadcast_in_dim3A = arith.constant 0.000000e+00 : f32
    %broadcast_in_dim3A_21 = vector.broadcast %broadcast_in_dim3A : f32 to vector<16xf32>
    %swap3A = arith.constant 0 : index
    %swap3A_22 = tpu.vector_load %arg4[%swap3A] {strides = array<i32>} : memref<640xf32, #tpu.memory_space<vmem>>, vector<16xf32>,
    %swap3A_23 = vector.shape_cast %swap3A_22 : vector<16xf32> to vector<16xf32>
    %swap3A_24 = vector.shape_cast %broadcast_in_dim3A_21 : vector<16xf32> to vector<16xf32>
    tpu.vector_store %arg4[%swap3A], %swap3A_24 {strides = array<i32>} : memref<640xf32, #tpu.memory_space<vmem>>, vector<16xf32>,
    %swap3A_25 = arith.constant 16 : index
    %swap3A_26 = tpu.vector_load %arg4[%swap3A_25] {strides = array<i32>} : memref<640xf32, #tpu.memory_space<vmem>>, vector<16xf32>,
    %swap3A_27 = vector.shape_cast %swap3A_26 : vector<16xf32> to vector<16xf32>
    %swap3A_28 = vector.shape_cast %broadcast_in_dim3A_21 : vector<16xf32> to vector<16xf32>
    tpu.vector_store %arg4[%swap3A_25], %swap3A_28 {strides = array<i32>} : memref<640xf32, #tpu.memory_space<vmem>>, vector<16xf32>,
    %swap3A_29 = arith.constant 32 : index
    %swap3A_30 = tpu.vector_load %arg4[%swap3A_29] {strides = array<i32>} : memref<640xf32, #tpu.memory_space<vmem>>, vector<16xf32>,
    %swap3A_31 = vector.shape_cast %swap3A_30 : vector<16xf32> to vector<16xf32>
    %swap3A_32 = vector.shape_cast %broadcast_in_dim3A_21 : vector<16xf32> to vector<16xf32>
    tpu.vector_store %arg4[%swap3A_29], %swap3A_32 {strides = array<i32>} : memref<640xf32, #tpu.memory_space<vmem>>, vector<16xf32>,
    %swap3A_33 = arith.constant 48 : index
    %swap3A_34 = tpu.vector_load %arg4[%swap3A_33] {strides = array<i32>} : memref<640xf32, #tpu.memory_space<vmem>>, vector<16xf32>,
    %swap3A_35 = vector.shape_cast %swap3A_34 : vector<16xf32> to vector<16xf32>
    %swap3A_36 = vector.shape_cast %broadcast_in_dim3A_21 : vector<16xf32> to vector<16xf32>
    tpu.vector_store %arg4[%swap3A_33], %swap3A_36 {strides = array<i32>} : memref<640xf32, #tpu.memory_space<vmem>>, vector<16xf32>,
    %swap3A_37 = arith.constant 64 : index
    %swap3A_38 = tpu.vector_load %arg4[%swap3A_37] {strides = array<i32>} : memref<640xf32, #tpu.memory_space<vmem>>, vector<16xf32>,
    %swap3A_39 = vector.shape_cast %swap3A_38 : vector<16xf32> to vector<16xf32>
    %swap3A_40 = vector.shape_cast %broadcast_in_dim3A_21 : vector<16xf32> to vector<16xf32>
    tpu.vector_store %arg4[%swap3A_37], %swap3A_40 {strides = array<i32>} : memref<640xf32, #tpu.memory_space<vmem>>, vector<16xf32>,
    %swap3A_41 = arith.constant 80 : index
    %swap3A_42 = tpu.vector_load %arg4[%swap3A_41] {strides = array<i32>} : memref<640xf32, #tpu.memory_space<vmem>>, vector<16xf32>,
    %swap3A_43 = vector.shape_cast %swap3A_42 : vector<16xf32> to vector<16xf32>
    %swap3A_44 = vector.shape_cast %broadcast_in_dim3A_21 : vector<16xf32> to vector<16xf32>
    tpu.vector_store %arg4[%swap3A_41], %swap3A_44 {strides = array<i32>} : memref<640xf32, #tpu.memory_space<vmem>>, vector<16xf32>,
    %swap3A_45 = arith.constant 96 : index
    %swap3A_46 = tpu.vector_load %arg4[%swap3A_45] {strides = array<i32>} : memref<640xf32, #tpu.memory_space<vmem>>, vector<16xf32>,
    %swap3A_47 = vector.shape_cast %swap3A_46 : vector<16xf32> to vector<16xf32>
    %swap3A_48 = vector.shape_cast %broadcast_in_dim3A_21 : vector<16xf32> to vector<16xf32>
    tpu.vector_store %arg4[%swap3A_45], %swap3A_48 {strides = array<i32>} : memref<640xf32, #tpu.memory_space<vmem>>, vector<16xf32>,
    %swap3A_49 = arith.constant 112 : index
    %swap3A_50 = tpu.vector_load %arg4[%swap3A_49] {strides = array<i32>} : memref<640xf32, #tpu.memory_space<vmem>>, vector<16xf32>,
    %swap3A_51 = vector.shape_cast %swap3A_50 : vector<16xf32> to vector<16xf32>
    %swap3A_52 = vector.shape_cast %broadcast_in_dim3A_21 : vector<16xf32> to vector<16xf32>
    tpu.vector_store %arg4[%swap3A_49], %swap3A_52 {strides = array<i32>} : memref<640xf32, #tpu.memory_space<vmem>>, vector<16xf32>,
    %swap3A_53 = arith.constant 128 : index
    %swap3A_54 = tpu.vector_load %arg4[%swap3A_53] {strides = array<i32>} : memref<640xf32, #tpu.memory_space<vmem>>, vector<16xf32>,
    %swap3A_55 = vector.shape_cast %swap3A_54 : vector<16xf32> to vector<16xf32>
    %swap3A_56 = vector.shape_cast %broadcast_in_dim3A_21 : vector<16xf32> to vector<16xf32>
    tpu.vector_store %arg4[%swap3A_53], %swap3A_56 {strides = array<i32>} : memref<640xf32, #tpu.memory_space<vmem>>, vector<16xf32>,
    %swap3A_57 = arith.constant 144 : index
    %swap3A_58 = tpu.vector_load %arg4[%swap3A_57] {strides = array<i32>} : memref<640xf32, #tpu.memory_space<vmem>>, vector<16xf32>,
    %swap3A_59 = vector.shape_cast %swap3A_58 : vector<16xf32> to vector<16xf32>
    %swap3A_60 = vector.shape_cast %broadcast_in_dim3A_21 : vector<16xf32> to vector<16xf32>
    tpu.vector_store %arg4[%swap3A_57], %swap3A_60 {strides = array<i32>} : memref<640xf32, #tpu.memory_space<vmem>>, vector<16xf32>,
    %swap3A_61 = arith.constant 160 : index
    %swap3A_62 = tpu.vector_load %arg4[%swap3A_61] {strides = array<i32>} : memref<640xf32, #tpu.memory_space<vmem>>, vector<16xf32>,
    %swap3A_63 = vector.shape_cast %swap3A_62 : vector<16xf32> to vector<16xf32>
    %swap3A_64 = vector.shape_cast %broadcast_in_dim3A_21 : vector<16xf32> to vector<16xf32>
    tpu.vector_store %arg4[%swap3A_61], %swap3A_64 {strides = array<i32>} : memref<640xf32, #tpu.memory_space<vmem>>, vector<16xf32>,
    %swap3A_65 = arith.constant 176 : index
    %swap3A_66 = tpu.vector_load %arg4[%swap3A_65] {strides = array<i32>} : memref<640xf32, #tpu.memory_space<vmem>>, vector<16xf32>,
    %swap3A_67 = vector.shape_cast %swap3A_66 : vector<16xf32> to vector<16xf32>
    %swap3A_68 = vector.shape_cast %broadcast_in_dim3A_21 : vector<16xf32> to vector<16xf32>
    tpu.vector_store %arg4[%swap3A_65], %swap3A_68 {strides = array<i32>} : memref<640xf32, #tpu.memory_space<vmem>>, vector<16xf32>,
    %swap3A_69 = arith.constant 192 : index
    %swap3A_70 = tpu.vector_load %arg4[%swap3A_69] {strides = array<i32>} : memref<640xf32, #tpu.memory_space<vmem>>, vector<16xf32>,
    %swap3A_71 = vector.shape_cast %swap3A_70 : vector<16xf32> to vector<16xf32>
    %swap3A_72 = vector.shape_cast %broadcast_in_dim3A_21 : vector<16xf32> to vector<16xf32>
    tpu.vector_store %arg4[%swap3A_69], %swap3A_72 {strides = array<i32>} : memref<640xf32, #tpu.memory_space<vmem>>, vector<16xf32>,
    %swap3A_73 = arith.constant 208 : index
    %swap3A_74 = tpu.vector_load %arg4[%swap3A_73] {strides = array<i32>} : memref<640xf32, #tpu.memory_space<vmem>>, vector<16xf32>,
    %swap3A_75 = vector.shape_cast %swap3A_74 : vector<16xf32> to vector<16xf32>
    %swap3A_76 = vector.shape_cast %broadcast_in_dim3A_21 : vector<16xf32> to vector<16xf32>
    tpu.vector_store %arg4[%swap3A_73], %swap3A_76 {strides = array<i32>} : memref<640xf32, #tpu.memory_space<vmem>>, vector<16xf32>,
    %swap3A_77 = arith.constant 224 : index
    %swap3A_78 = tpu.vector_load %arg4[%swap3A_77] {strides = array<i32>} : memref<640xf32, #tpu.memory_space<vmem>>, vector<16xf32>,
    %swap3A_79 = vector.shape_cast %swap3A_78 : vector<16xf32> to vector<16xf32>
    %swap3A_80 = vector.shape_cast %broadcast_in_dim3A_21 : vector<16xf32> to vector<16xf32>
    tpu.vector_store %arg4[%swap3A_77], %swap3A_80 {strides = array<i32>} : memref<640xf32, #tpu.memory_space<vmem>>, vector<16xf32>,
    %swap3A_81 = arith.constant 240 : index
    %swap3A_82 = tpu.vector_load %arg4[%swap3A_81] {strides = array<i32>} : memref<640xf32, #tpu.memory_space<vmem>>, vector<16xf32>,
    %swap3A_83 = vector.shape_cast %swap3A_82 : vector<16xf32> to vector<16xf32>
    %swap3A_84 = vector.shape_cast %broadcast_in_dim3A_21 : vector<16xf32> to vector<16xf32>
    tpu.vector_store %arg4[%swap3A_81], %swap3A_84 {strides = array<i32>} : memref<640xf32, #tpu.memory_space<vmem>>, vector<16xf32>,
    %swap3A_85 = arith.constant 256 : index
    %swap3A_86 = tpu.vector_load %arg4[%swap3A_85] {strides = array<i32>} : memref<640xf32, #tpu.memory_space<vmem>>, vector<16xf32>,
    %swap3A_87 = vector.shape_cast %swap3A_86 : vector<16xf32> to vector<16xf32>
    %swap3A_88 = vector.shape_cast %broadcast_in_dim3A_21 : vector<16xf32> to vector<16xf32>
    tpu.vector_store %arg4[%swap3A_85], %swap3A_88 {strides = array<i32>} : memref<640xf32, #tpu.memory_space<vmem>>, vector<16xf32>,
    %swap3A_89 = arith.constant 272 : index
    %swap3A_90 = tpu.vector_load %arg4[%swap3A_89] {strides = array<i32>} : memref<640xf32, #tpu.memory_space<vmem>>, vector<16xf32>,
    %swap3A_91 = vector.shape_cast %swap3A_90 : vector<16xf32> to vector<16xf32>
    %swap3A_92 = vector.shape_cast %broadcast_in_dim3A_21 : vector<16xf32> to vector<16xf32>
    tpu.vector_store %arg4[%swap3A_89], %swap3A_92 {strides = array<i32>} : memref<640xf32, #tpu.memory_space<vmem>>, vector<16xf32>,
    %swap3A_93 = arith.constant 288 : index
    %swap3A_94 = tpu.vector_load %arg4[%swap3A_93] {strides = array<i32>} : memref<640xf32, #tpu.memory_space<vmem>>, vector<16xf32>,
    %swap3A_95 = vector.shape_cast %swap3A_94 : vector<16xf32> to vector<16xf32>
    %swap3A_96 = vector.shape_cast %broadcast_in_dim3A_21 : vector<16xf32> to vector<16xf32>
    tpu.vector_store %arg4[%swap3A_93], %swap3A_96 {strides = array<i32>} : memref<640xf32, #tpu.memory_space<vmem>>, vector<16xf32>,
    %swap3A_97 = arith.constant 304 : index
    %swap3A_98 = tpu.vector_load %arg4[%swap3A_97] {strides = array<i32>} : memref<640xf32, #tpu.memory_space<vmem>>, vector<16xf32>,
    %swap3A_99 = vector.shape_cast %swap3A_98 : vector<16xf32> to vector<16xf32>
    %swap3A_100 = vector.shape_cast %broadcast_in_dim3A_21 : vector<16xf32> to vector<16xf32>
    tpu.vector_store %arg4[%swap3A_97], %swap3A_100 {strides = array<i32>} : memref<640xf32, #tpu.memory_space<vmem>>, vector<16xf32>,
    %swap3A_101 = arith.constant 320 : index
    %swap3A_102 = tpu.vector_load %arg4[%swap3A_101] {strides = array<i32>} : memref<640xf32, #tpu.memory_space<vmem>>, vector<16xf32>,
    %swap3A_103 = vector.shape_cast %swap3A_102 : vector<16xf32> to vector<16xf32>
    %swap3A_104 = vector.shape_cast %broadcast_in_dim3A_21 : vector<16xf32> to vector<16xf32>
    tpu.vector_store %arg4[%swap3A_101], %swap3A_104 {strides = array<i32>} : memref<640xf32, #tpu.memory_space<vmem>>, vector<16xf32>,
    %swap3A_105 = arith.constant 336 : index
    %swap3A_106 = tpu.vector_load %arg4[%swap3A_105] {strides = array<i32>} : memref<640xf32, #tpu.memory_space<vmem>>, vector<16xf32>,
    %swap3A_107 = vector.shape_cast %swap3A_106 : vector<16xf32> to vector<16xf32>
    %swap3A_108 = vector.shape_cast %broadcast_in_dim3A_21 : vector<16xf32> to vector<16xf32>
    tpu.vector_store %arg4[%swap3A_105], %swap3A_108 {strides = array<i32>} : memref<640xf32, #tpu.memory_space<vmem>>, vector<16xf32>,
    %swap3A_109 = arith.constant 352 : index
    %swap3A_110 = tpu.vector_load %arg4[%swap3A_109] {strides = array<i32>} : memref<640xf32, #tpu.memory_space<vmem>>, vector<16xf32>,
    %swap3A_111 = vector.shape_cast %swap3A_110 : vector<16xf32> to vector<16xf32>
    %swap3A_112 = vector.shape_cast %broadcast_in_dim3A_21 : vector<16xf32> to vector<16xf32>
    tpu.vector_store %arg4[%swap3A_109], %swap3A_112 {strides = array<i32>} : memref<640xf32, #tpu.memory_space<vmem>>, vector<16xf32>,
    %swap3A_113 = arith.constant 368 : index
    %swap3A_114 = tpu.vector_load %arg4[%swap3A_113] {strides = array<i32>} : memref<640xf32, #tpu.memory_space<vmem>>, vector<16xf32>,
    %swap3A_115 = vector.shape_cast %swap3A_114 : vector<16xf32> to vector<16xf32>
    %swap3A_116 = vector.shape_cast %broadcast_in_dim3A_21 : vector<16xf32> to vector<16xf32>
    tpu.vector_store %arg4[%swap3A_113], %swap3A_116 {strides = array<i32>} : memref<640xf32, #tpu.memory_space<vmem>>, vector<16xf32>,
    %swap3A_117 = arith.constant 384 : index
    %swap3A_118 = tpu.vector_load %arg4[%swap3A_117] {strides = array<i32>} : memref<640xf32, #tpu.memory_space<vmem>>, vector<16xf32>,
    %swap3A_119 = vector.shape_cast %swap3A_118 : vector<16xf32> to vector<16xf32>
    %swap3A_120 = vector.shape_cast %broadcast_in_dim3A_21 : vector<16xf32> to vector<16xf32>
    tpu.vector_store %arg4[%swap3A_117], %swap3A_120 {strides = array<i32>} : memref<640xf32, #tpu.memory_space<vmem>>, vector<16xf32>,
    %swap3A_121 = arith.constant 400 : index
    %swap3A_122 = tpu.vector_load %arg4[%swap3A_121] {strides = array<i32>} : memref<640xf32, #tpu.memory_space<vmem>>, vector<16xf32>,
    %swap3A_123 = vector.shape_cast %swap3A_122 : vector<16xf32> to vector<16xf32>
    %swap3A_124 = vector.shape_cast %broadcast_in_dim3A_21 : vector<16xf32> to vector<16xf32>
    tpu.vector_store %arg4[%swap3A_121], %swap3A_124 {strides = array<i32>} : memref<640xf32, #tpu.memory_space<vmem>>, vector<16xf32>,
    %swap3A_125 = arith.constant 416 : index
    %swap3A_126 = tpu.vector_load %arg4[%swap3A_125] {strides = array<i32>} : memref<640xf32, #tpu.memory_space<vmem>>, vector<16xf32>,
    %swap3A_127 = vector.shape_cast %swap3A_126 : vector<16xf32> to vector<16xf32>
    %swap3A_128 = vector.shape_cast %broadcast_in_dim3A_21 : vector<16xf32> to vector<16xf32>
    tpu.vector_store %arg4[%swap3A_125], %swap3A_128 {strides = array<i32>} : memref<640xf32, #tpu.memory_space<vmem>>, vector<16xf32>,
    %swap3A_129 = arith.constant 432 : index
    %swap3A_130 = tpu.vector_load %arg4[%swap3A_129] {strides = array<i32>} : memref<640xf32, #tpu.memory_space<vmem>>, vector<16xf32>,
    %swap3A_131 = vector.shape_cast %swap3A_130 : vector<16xf32> to vector<16xf32>
    %swap3A_132 = vector.shape_cast %broadcast_in_dim3A_21 : vector<16xf32> to vector<16xf32>
    tpu.vector_store %arg4[%swap3A_129], %swap3A_132 {strides = array<i32>} : memref<640xf32, #tpu.memory_space<vmem>>, vector<16xf32>,
    %swap3A_133 = arith.constant 448 : index
    %swap3A_134 = tpu.vector_load %arg4[%swap3A_133] {strides = array<i32>} : memref<640xf32, #tpu.memory_space<vmem>>, vector<16xf32>,
    %swap3A_135 = vector.shape_cast %swap3A_134 : vector<16xf32> to vector<16xf32>
    %swap3A_136 = vector.shape_cast %broadcast_in_dim3A_21 : vector<16xf32> to vector<16xf32>
    tpu.vector_store %arg4[%swap3A_133], %swap3A_136 {strides = array<i32>} : memref<640xf32, #tpu.memory_space<vmem>>, vector<16xf32>,
    %swap3A_137 = arith.constant 464 : index
    %swap3A_138 = tpu.vector_load %arg4[%swap3A_137] {strides = array<i32>} : memref<640xf32, #tpu.memory_space<vmem>>, vector<16xf32>,
    %swap3A_139 = vector.shape_cast %swap3A_138 : vector<16xf32> to vector<16xf32>
    %swap3A_140 = vector.shape_cast %broadcast_in_dim3A_21 : vector<16xf32> to vector<16xf32>
    tpu.vector_store %arg4[%swap3A_137], %swap3A_140 {strides = array<i32>} : memref<640xf32, #tpu.memory_space<vmem>>, vector<16xf32>,
    %swap3A_141 = arith.constant 480 : index
    %swap3A_142 = tpu.vector_load %arg4[%swap3A_141] {strides = array<i32>} : memref<640xf32, #tpu.memory_space<vmem>>, vector<16xf32>,
    %swap3A_143 = vector.shape_cast %swap3A_142 : vector<16xf32> to vector<16xf32>
    %swap3A_144 = vector.shape_cast %broadcast_in_dim3A_21 : vector<16xf32> to vector<16xf32>
    tpu.vector_store %arg4[%swap3A_141], %swap3A_144 {strides = array<i32>} : memref<640xf32, #tpu.memory_space<vmem>>, vector<16xf32>,
    %swap3A_145 = arith.constant 496 : index
    %swap3A_146 = tpu.vector_load %arg4[%swap3A_145] {strides = array<i32>} : memref<640xf32, #tpu.memory_space<vmem>>, vector<16xf32>,
    %swap3A_147 = vector.shape_cast %swap3A_146 : vector<16xf32> to vector<16xf32>
    %swap3A_148 = vector.shape_cast %broadcast_in_dim3A_21 : vector<16xf32> to vector<16xf32>
    tpu.vector_store %arg4[%swap3A_145], %swap3A_148 {strides = array<i32>} : memref<640xf32, #tpu.memory_space<vmem>>, vector<16xf32>,
    %swap3A_149 = arith.constant 512 : index
    %swap3A_150 = tpu.vector_load %arg4[%swap3A_149] {strides = array<i32>} : memref<640xf32, #tpu.memory_space<vmem>>, vector<16xf32>,
    %swap3A_151 = vector.shape_cast %swap3A_150 : vector<16xf32> to vector<16xf32>
    %swap3A_152 = vector.shape_cast %broadcast_in_dim3A_21 : vector<16xf32> to vector<16xf32>
    tpu.vector_store %arg4[%swap3A_149], %swap3A_152 {strides = array<i32>} : memref<640xf32, #tpu.memory_space<vmem>>, vector<16xf32>,
    %swap3A_153 = arith.constant 528 : index
    %swap3A_154 = tpu.vector_load %arg4[%swap3A_153] {strides = array<i32>} : memref<640xf32, #tpu.memory_space<vmem>>, vector<16xf32>,
    %swap3A_155 = vector.shape_cast %swap3A_154 : vector<16xf32> to vector<16xf32>
    %swap3A_156 = vector.shape_cast %broadcast_in_dim3A_21 : vector<16xf32> to vector<16xf32>
    tpu.vector_store %arg4[%swap3A_153], %swap3A_156 {strides = array<i32>} : memref<640xf32, #tpu.memory_space<vmem>>, vector<16xf32>,
    %swap3A_157 = arith.constant 544 : index
    %swap3A_158 = tpu.vector_load %arg4[%swap3A_157] {strides = array<i32>} : memref<640xf32, #tpu.memory_space<vmem>>, vector<16xf32>,
    %swap3A_159 = vector.shape_cast %swap3A_158 : vector<16xf32> to vector<16xf32>
    %swap3A_160 = vector.shape_cast %broadcast_in_dim3A_21 : vector<16xf32> to vector<16xf32>
    tpu.vector_store %arg4[%swap3A_157], %swap3A_160 {strides = array<i32>} : memref<640xf32, #tpu.memory_space<vmem>>, vector<16xf32>,
    %swap3A_161 = arith.constant 560 : index
    %swap3A_162 = tpu.vector_load %arg4[%swap3A_161] {strides = array<i32>} : memref<640xf32, #tpu.memory_space<vmem>>, vector<16xf32>,
    %swap3A_163 = vector.shape_cast %swap3A_162 : vector<16xf32> to vector<16xf32>
    %swap3A_164 = vector.shape_cast %broadcast_in_dim3A_21 : vector<16xf32> to vector<16xf32>
    tpu.vector_store %arg4[%swap3A_161], %swap3A_164 {strides = array<i32>} : memref<640xf32, #tpu.memory_space<vmem>>, vector<16xf32>,
    %swap3A_165 = arith.constant 576 : index
    %swap3A_166 = tpu.vector_load %arg4[%swap3A_165] {strides = array<i32>} : memref<640xf32, #tpu.memory_space<vmem>>, vector<16xf32>,
    %swap3A_167 = vector.shape_cast %swap3A_166 : vector<16xf32> to vector<16xf32>
    %swap3A_168 = vector.shape_cast %broadcast_in_dim3A_21 : vector<16xf32> to vector<16xf32>
    tpu.vector_store %arg4[%swap3A_165], %swap3A_168 {strides = array<i32>} : memref<640xf32, #tpu.memory_space<vmem>>, vector<16xf32>,
    %swap3A_169 = arith.constant 592 : index
    %swap3A_170 = tpu.vector_load %arg4[%swap3A_169] {strides = array<i32>} : memref<640xf32, #tpu.memory_space<vmem>>, vector<16xf32>,
    %swap3A_171 = vector.shape_cast %swap3A_170 : vector<16xf32> to vector<16xf32>
    %swap3A_172 = vector.shape_cast %broadcast_in_dim3A_21 : vector<16xf32> to vector<16xf32>
    tpu.vector_store %arg4[%swap3A_169], %swap3A_172 {strides = array<i32>} : memref<640xf32, #tpu.memory_space<vmem>>, vector<16xf32>,
    %swap3A_173 = arith.constant 608 : index
    %swap3A_174 = tpu.vector_load %arg4[%swap3A_173] {strides = array<i32>} : memref<640xf32, #tpu.memory_space<vmem>>, vector<16xf32>,
    %swap3A_175 = vector.shape_cast %swap3A_174 : vector<16xf32> to vector<16xf32>
    %swap3A_176 = vector.shape_cast %broadcast_in_dim3A_21 : vector<16xf32> to vector<16xf32>
    tpu.vector_store %arg4[%swap3A_173], %swap3A_176 {strides = array<i32>} : memref<640xf32, #tpu.memory_space<vmem>>, vector<16xf32>,
    %swap3A_177 = arith.constant 624 : index
    %swap3A_178 = tpu.vector_load %arg4[%swap3A_177] {strides = array<i32>} : memref<640xf32, #tpu.memory_space<vmem>>, vector<16xf32>,
    %swap3A_179 = vector.shape_cast %swap3A_178 : vector<16xf32> to vector<16xf32>
    %swap3A_180 = vector.shape_cast %broadcast_in_dim3A_21 : vector<16xf32> to vector<16xf32>
    tpu.vector_store %arg4[%swap3A_177], %swap3A_180 {strides = array<i32>} : memref<640xf32, #tpu.memory_space<vmem>>, vector<16xf32>,
    %mul3A_181 = arith.constant 640 : i32
    %mul3A_182 = arith.muli %arg1, %mul3A_181 : i32
    "tpu.region"() ({
      %run_scoped3A = tpu.sem_alloc : memref<!tpu.dma_semaphore, #tpu.memory_space<semaphore_mem>>
      %dma_start3A_267 = tpu.memref_slice %arg7[%mul3A_182] : memref<10240xf32, #tpu.memory_space<vmem_shared>> -> memref<640xf32, #tpu.memory_space<vmem_shared>>
      %dma_start3A_268 = tpu.memref_slice %arg7[%mul3A_182] : memref<10240xf32, #tpu.memory_space<vmem_shared>> -> memref<640xf32, #tpu.memory_space<vmem_shared>>
      tpu.enqueue_dma source(%arg4 : memref<640xf32, #tpu.memory_space<vmem>>) target(%dma_start3A_268 : memref<640xf32, #tpu.memory_space<vmem_shared>>) target_semaphore(%run_scoped3A : memref<!tpu.dma_semaphore, #tpu.memory_space<semaphore_mem>>)
      %dma_wait3A_269 = tpu.memref_slice %arg7[%mul3A_182] : memref<10240xf32, #tpu.memory_space<vmem_shared>> -> memref<640xf32, #tpu.memory_space<vmem_shared>>
      %dma_wait3A_270 = tpu.memref_slice %arg7[%mul3A_182] : memref<10240xf32, #tpu.memory_space<vmem_shared>> -> memref<640xf32, #tpu.memory_space<vmem_shared>>
      tpu.wait_dma2 semaphore(%run_scoped3A : memref<!tpu.dma_semaphore, #tpu.memory_space<semaphore_mem>>) src(%arg4 : memref<640xf32, #tpu.memory_space<vmem>>) dst(%dma_wait3A_270 : memref<640xf32, #tpu.memory_space<vmem_shared>>)
      tpu.yield
    }) : () -> ()
    %broadcast_in_dim3A_183 = arith.constant 1.000000e+00 : f32
    %broadcast_in_dim3A_184 = vector.broadcast %broadcast_in_dim3A_183 : f32 to vector<16xf32>
    %swap3A_185 = arith.constant 0 : index
    %swap3A_186 = tpu.vector_load %arg5[%swap3A_185] {strides = array<i32>} : memref<128xf32, #tpu.memory_space<vmem>>, vector<16xf32>,
    %swap3A_187 = vector.shape_cast %swap3A_186 : vector<16xf32> to vector<16xf32>
    %swap3A_188 = vector.shape_cast %broadcast_in_dim3A_184 : vector<16xf32> to vector<16xf32>
    tpu.vector_store %arg5[%swap3A_185], %swap3A_188 {strides = array<i32>} : memref<128xf32, #tpu.memory_space<vmem>>, vector<16xf32>,
    %broadcast_in_dim3A_189 = arith.constant 1.000000e+00 : f32
    %broadcast_in_dim3A_190 = vector.broadcast %broadcast_in_dim3A_189 : f32 to vector<16xf32>
    %swap3A_191 = arith.constant 16 : index
    %swap3A_192 = tpu.vector_load %arg5[%swap3A_191] {strides = array<i32>} : memref<128xf32, #tpu.memory_space<vmem>>, vector<16xf32>,
    %swap3A_193 = vector.shape_cast %swap3A_192 : vector<16xf32> to vector<16xf32>
    %swap3A_194 = vector.shape_cast %broadcast_in_dim3A_190 : vector<16xf32> to vector<16xf32>
    tpu.vector_store %arg5[%swap3A_191], %swap3A_194 {strides = array<i32>} : memref<128xf32, #tpu.memory_space<vmem>>, vector<16xf32>,
    %broadcast_in_dim3A_195 = arith.constant 1.000000e+00 : f32
    %broadcast_in_dim3A_196 = vector.broadcast %broadcast_in_dim3A_195 : f32 to vector<16xf32>
    %swap3A_197 = arith.constant 32 : index
    %swap3A_198 = tpu.vector_load %arg5[%swap3A_197] {strides = array<i32>} : memref<128xf32, #tpu.memory_space<vmem>>, vector<16xf32>,
    %swap3A_199 = vector.shape_cast %swap3A_198 : vector<16xf32> to vector<16xf32>
    %swap3A_200 = vector.shape_cast %broadcast_in_dim3A_196 : vector<16xf32> to vector<16xf32>
    tpu.vector_store %arg5[%swap3A_197], %swap3A_200 {strides = array<i32>} : memref<128xf32, #tpu.memory_space<vmem>>, vector<16xf32>,
    %broadcast_in_dim3A_201 = arith.constant 1.000000e+00 : f32
    %broadcast_in_dim3A_202 = vector.broadcast %broadcast_in_dim3A_201 : f32 to vector<16xf32>
    %swap3A_203 = arith.constant 48 : index
    %swap3A_204 = tpu.vector_load %arg5[%swap3A_203] {strides = array<i32>} : memref<128xf32, #tpu.memory_space<vmem>>, vector<16xf32>,
    %swap3A_205 = vector.shape_cast %swap3A_204 : vector<16xf32> to vector<16xf32>
    %swap3A_206 = vector.shape_cast %broadcast_in_dim3A_202 : vector<16xf32> to vector<16xf32>
    tpu.vector_store %arg5[%swap3A_203], %swap3A_206 {strides = array<i32>} : memref<128xf32, #tpu.memory_space<vmem>>, vector<16xf32>,
    %broadcast_in_dim3A_207 = arith.constant 1.000000e+00 : f32
    %broadcast_in_dim3A_208 = vector.broadcast %broadcast_in_dim3A_207 : f32 to vector<16xf32>
    %swap3A_209 = arith.constant 64 : index
    %swap3A_210 = tpu.vector_load %arg5[%swap3A_209] {strides = array<i32>} : memref<128xf32, #tpu.memory_space<vmem>>, vector<16xf32>,
    %swap3A_211 = vector.shape_cast %swap3A_210 : vector<16xf32> to vector<16xf32>
    %swap3A_212 = vector.shape_cast %broadcast_in_dim3A_208 : vector<16xf32> to vector<16xf32>
    tpu.vector_store %arg5[%swap3A_209], %swap3A_212 {strides = array<i32>} : memref<128xf32, #tpu.memory_space<vmem>>, vector<16xf32>,
    %broadcast_in_dim3A_213 = arith.constant 1.000000e+00 : f32
    %broadcast_in_dim3A_214 = vector.broadcast %broadcast_in_dim3A_213 : f32 to vector<16xf32>
    %swap3A_215 = arith.constant 80 : index
    %swap3A_216 = tpu.vector_load %arg5[%swap3A_215] {strides = array<i32>} : memref<128xf32, #tpu.memory_space<vmem>>, vector<16xf32>,
    %swap3A_217 = vector.shape_cast %swap3A_216 : vector<16xf32> to vector<16xf32>
    %swap3A_218 = vector.shape_cast %broadcast_in_dim3A_214 : vector<16xf32> to vector<16xf32>
    tpu.vector_store %arg5[%swap3A_215], %swap3A_218 {strides = array<i32>} : memref<128xf32, #tpu.memory_space<vmem>>, vector<16xf32>,
    %broadcast_in_dim3A_219 = arith.constant 1.000000e+00 : f32
    %broadcast_in_dim3A_220 = vector.broadcast %broadcast_in_dim3A_219 : f32 to vector<16xf32>
    %swap3A_221 = arith.constant 96 : index
    %swap3A_222 = tpu.vector_load %arg5[%swap3A_221] {strides = array<i32>} : memref<128xf32, #tpu.memory_space<vmem>>, vector<16xf32>,
    %swap3A_223 = vector.shape_cast %swap3A_222 : vector<16xf32> to vector<16xf32>
    %swap3A_224 = vector.shape_cast %broadcast_in_dim3A_220 : vector<16xf32> to vector<16xf32>
    tpu.vector_store %arg5[%swap3A_221], %swap3A_224 {strides = array<i32>} : memref<128xf32, #tpu.memory_space<vmem>>, vector<16xf32>,
    %broadcast_in_dim3A_225 = arith.constant 1.000000e+00 : f32
    %broadcast_in_dim3A_226 = vector.broadcast %broadcast_in_dim3A_225 : f32 to vector<16xf32>
    %swap3A_227 = arith.constant 112 : index
    %swap3A_228 = tpu.vector_load %arg5[%swap3A_227] {strides = array<i32>} : memref<128xf32, #tpu.memory_space<vmem>>, vector<16xf32>,
    %swap3A_229 = vector.shape_cast %swap3A_228 : vector<16xf32> to vector<16xf32>
    %swap3A_230 = vector.shape_cast %broadcast_in_dim3A_226 : vector<16xf32> to vector<16xf32>
    tpu.vector_store %arg5[%swap3A_227], %swap3A_230 {strides = array<i32>} : memref<128xf32, #tpu.memory_space<vmem>>, vector<16xf32>,
    %add3A_231 = arith.constant 320000 : i32
    %add3A_232 = arith.addi %add3A_231, %mul3A_10 : i32
    %dma_wait3A = arith.constant 0 : i32
    %dma_wait3A_233 = tpu.memref_slice %arg6[%dma_wait3A] : memref<10112xi32, #tpu.memory_space<vmem>> -> memref<9984xi32, #tpu.memory_space<vmem>>
    %dma_wait3A_234 = tpu.memref_slice %arg2[%add3A_232] : memref<640000xi32, #tpu.memory_space<hbm>> -> memref<9984xi32, #tpu.memory_space<hbm>>
    %dma_wait3A_235 = arith.constant 0 : i32
    %dma_wait3A_236 = tpu.memref_slice %arg6[%dma_wait3A_235] : memref<10112xi32, #tpu.memory_space<vmem>> -> memref<9984xi32, #tpu.memory_space<vmem>>
    %dma_wait3A_237 = tpu.memref_slice %arg2[%add3A_232] : memref<640000xi32, #tpu.memory_space<hbm>> -> memref<9984xi32, #tpu.memory_space<hbm>>
    tpu.wait_dma2 semaphore(%arg8 : memref<!tpu.dma_semaphore, #tpu.memory_space<semaphore_mem>>) src(%dma_wait3A_237 : memref<9984xi32, #tpu.memory_space<hbm>>) dst(%dma_wait3A_236 : memref<9984xi32, #tpu.memory_space<vmem>>)
    %lt3A_238 = arith.constant 4 : i32
    %lt3A_239 = arith.cmpi slt, %add3A, %lt3A_238 : i32
    %convert_element_type3A_240 = arith.extui %lt3A_239 : i1 to i32
    %cond3A_241 = arith.constant 0 : i32
    %cond3A_242 = arith.cmpi ne, %convert_element_type3A_240, %cond3A_241 : i32
    scf.if %cond3A_242 {
      %add3A_267 = arith.constant 320000 : i32
      %add3A_268 = arith.addi %add3A_267, %mul3A_10 : i32
      %add3A_269 = arith.constant 9984 : i32
      %add3A_270 = arith.addi %add3A_268, %add3A_269 : i32
      %dma_wait3A_271 = arith.constant 9984 : i32
      %dma_wait3A_272 = tpu.memref_slice %arg6[%dma_wait3A_271] : memref<10112xi32, #tpu.memory_space<vmem>> -> memref<128xi32, #tpu.memory_space<vmem>>
      %dma_wait3A_273 = tpu.memref_slice %arg2[%add3A_270] : memref<640000xi32, #tpu.memory_space<hbm>> -> memref<128xi32, #tpu.memory_space<hbm>>
      %dma_wait3A_274 = arith.constant 9984 : i32
      %dma_wait3A_275 = tpu.memref_slice %arg6[%dma_wait3A_274] : memref<10112xi32, #tpu.memory_space<vmem>> -> memref<128xi32, #tpu.memory_space<vmem>>
      %dma_wait3A_276 = tpu.memref_slice %arg2[%add3A_270] : memref<640000xi32, #tpu.memory_space<hbm>> -> memref<128xi32, #tpu.memory_space<hbm>>
      tpu.wait_dma2 semaphore(%arg8 : memref<!tpu.dma_semaphore, #tpu.memory_space<semaphore_mem>>) src(%dma_wait3A_276 : memref<128xi32, #tpu.memory_space<hbm>>) dst(%dma_wait3A_275 : memref<128xi32, #tpu.memory_space<vmem>>)
    } else {
    }
    %barrier3A = arith.constant 0 : index
    tpu.barrier barrier_id(%barrier3A)
    %while3A = arith.constant 0 : i32
    %while3A_243 = arith.constant 0 : i32
    %while3A_244 = arith.subi %add3A_4, %while3A_243 : i32
    %while3A_245 = arith.addi %while3A_243, %while3A_244 : i32
    %while3A_246 = arith.constant 1 : i32
    %while3A_247 = arith.divsi %while3A_244, %while3A_246 : i32
    %while3A_248 = arith.muli %while3A_247, %while3A_246 : i32
    %while3A_249 = arith.addi %while3A_243, %while3A_248 : i32
    %while3A_250 = arith.constant 1 : i32
    scf.for %while3A_267 = %while3A_243 to %while3A_249 step %while3A_250  : i32 {
      %mul3A_268 = arith.constant 128 : i32
      %mul3A_269 = arith.muli %while3A_267, %mul3A_268 : i32
      %dma_start3A_270 = tpu.memref_slice %arg6[%mul3A_269] : memref<10112xi32, #tpu.memory_space<vmem>> -> memref<128xi32, #tpu.memory_space<vmem>>
      %dma_start3A_271 = arith.constant 0 : i32
      %dma_start3A_272 = tpu.memref_slice %arg7[%dma_start3A_271] : memref<10240xf32, #tpu.memory_space<vmem_shared>> -> memref<10240xf32, #tpu.memory_space<vmem_shared>>
      tpu.enqueue_indirect_dma source(%arg5 : memref<128xf32, #tpu.memory_space<vmem>>) target(%dma_start3A_272 : memref<10240xf32, #tpu.memory_space<vmem_shared>>) offsets(%dma_start3A_270 : memref<128xi32, #tpu.memory_space<vmem>>) semaphore(%arg9 : memref<!tpu.dma_semaphore, #tpu.memory_space<semaphore_mem>>) {add = true}
    }
    %while3A_251 = arith.constant 1 : i32
    scf.for %while3A_267 = %while3A_249 to %while3A_245 step %while3A_251  : i32 {
      %mul3A_268 = arith.constant 128 : i32
      %mul3A_269 = arith.muli %while3A_267, %mul3A_268 : i32
      %dma_start3A_270 = tpu.memref_slice %arg6[%mul3A_269] : memref<10112xi32, #tpu.memory_space<vmem>> -> memref<128xi32, #tpu.memory_space<vmem>>
      %dma_start3A_271 = arith.constant 0 : i32
      %dma_start3A_272 = tpu.memref_slice %arg7[%dma_start3A_271] : memref<10240xf32, #tpu.memory_space<vmem_shared>> -> memref<10240xf32, #tpu.memory_space<vmem_shared>>
      tpu.enqueue_indirect_dma source(%arg5 : memref<128xf32, #tpu.memory_space<vmem>>) target(%dma_start3A_272 : memref<10240xf32, #tpu.memory_space<vmem_shared>>) offsets(%dma_start3A_270 : memref<128xi32, #tpu.memory_space<vmem>>) semaphore(%arg9 : memref<!tpu.dma_semaphore, #tpu.memory_space<semaphore_mem>>) {add = true}
    }
    %while3A_252 = arith.constant 0 : i32
    %while3A_253 = arith.constant 0 : i32
    %while3A_254 = arith.subi %add3A_4, %while3A_253 : i32
    %while3A_255 = arith.addi %while3A_253, %while3A_254 : i32
    %while3A_256 = arith.constant 1 : i32
    %while3A_257 = arith.divsi %while3A_254, %while3A_256 : i32
    %while3A_258 = arith.muli %while3A_257, %while3A_256 : i32
    %while3A_259 = arith.addi %while3A_253, %while3A_258 : i32
    %while3A_260 = arith.constant 1 : i32
    scf.for %while3A_267 = %while3A_253 to %while3A_259 step %while3A_260  : i32 {
      %mul3A_268 = arith.constant 128 : i32
      %mul3A_269 = arith.muli %while3A_267, %mul3A_268 : i32
      %dma_wait3A_270 = tpu.memref_slice %arg6[%mul3A_269] : memref<10112xi32, #tpu.memory_space<vmem>> -> memref<128xi32, #tpu.memory_space<vmem>>
      %dma_wait3A_271 = arith.constant 0 : i32
      %dma_wait3A_272 = tpu.memref_slice %arg7[%dma_wait3A_271] : memref<10240xf32, #tpu.memory_space<vmem_shared>> -> memref<10240xf32, #tpu.memory_space<vmem_shared>>
      tpu.wait_indirect_dma semaphore(%arg9 : memref<!tpu.dma_semaphore, #tpu.memory_space<semaphore_mem>>) src(%arg5 : memref<128xf32, #tpu.memory_space<vmem>>) dst(%dma_wait3A_272 : memref<10240xf32, #tpu.memory_space<vmem_shared>>)
    }
    %while3A_261 = arith.constant 1 : i32
    scf.for %while3A_267 = %while3A_259 to %while3A_255 step %while3A_261  : i32 {
      %mul3A_268 = arith.constant 128 : i32
      %mul3A_269 = arith.muli %while3A_267, %mul3A_268 : i32
      %dma_wait3A_270 = tpu.memref_slice %arg6[%mul3A_269] : memref<10112xi32, #tpu.memory_space<vmem>> -> memref<128xi32, #tpu.memory_space<vmem>>
      %dma_wait3A_271 = arith.constant 0 : i32
      %dma_wait3A_272 = tpu.memref_slice %arg7[%dma_wait3A_271] : memref<10240xf32, #tpu.memory_space<vmem_shared>> -> memref<10240xf32, #tpu.memory_space<vmem_shared>>
      tpu.wait_indirect_dma semaphore(%arg9 : memref<!tpu.dma_semaphore, #tpu.memory_space<semaphore_mem>>) src(%arg5 : memref<128xf32, #tpu.memory_space<vmem>>) dst(%dma_wait3A_272 : memref<10240xf32, #tpu.memory_space<vmem_shared>>)
    }
    %barrier3A_262 = arith.constant 0 : index
    tpu.barrier barrier_id(%barrier3A_262)
    %mul3A_263 = arith.constant 640 : i32
    %mul3A_264 = arith.muli %arg1, %mul3A_263 : i32
    "tpu.region"() ({
      %run_scoped3A = tpu.sem_alloc : memref<!tpu.dma_semaphore, #tpu.memory_space<semaphore_mem>>
      %dma_start3A_267 = tpu.memref_slice %arg7[%mul3A_264] : memref<10240xf32, #tpu.memory_space<vmem_shared>> -> memref<640xf32, #tpu.memory_space<vmem_shared>>
      %dma_start3A_268 = tpu.memref_slice %arg7[%mul3A_264] : memref<10240xf32, #tpu.memory_space<vmem_shared>> -> memref<640xf32, #tpu.memory_space<vmem_shared>>
      tpu.enqueue_dma source(%dma_start3A_268 : memref<640xf32, #tpu.memory_space<vmem_shared>>) target(%arg4 : memref<640xf32, #tpu.memory_space<vmem>>) target_semaphore(%run_scoped3A : memref<!tpu.dma_semaphore, #tpu.memory_space<semaphore_mem>>)
      %dma_wait3A_269 = tpu.memref_slice %arg7[%mul3A_264] : memref<10240xf32, #tpu.memory_space<vmem_shared>> -> memref<640xf32, #tpu.memory_space<vmem_shared>>
      %dma_wait3A_270 = tpu.memref_slice %arg7[%mul3A_264] : memref<10240xf32, #tpu.memory_space<vmem_shared>> -> memref<640xf32, #tpu.memory_space<vmem_shared>>
      tpu.wait_dma2 semaphore(%run_scoped3A : memref<!tpu.dma_semaphore, #tpu.memory_space<semaphore_mem>>) src(%dma_wait3A_270 : memref<640xf32, #tpu.memory_space<vmem_shared>>) dst(%arg4 : memref<640xf32, #tpu.memory_space<vmem>>)
      tpu.yield
    }) : () -> ()
    %mul3A_265 = arith.constant 640 : i32
    %mul3A_266 = arith.muli %arg1, %mul3A_265 : i32
    "tpu.region"() ({
      %run_scoped3A = tpu.sem_alloc : memref<!tpu.dma_semaphore, #tpu.memory_space<semaphore_mem>>
      %dma_start3A_267 = tpu.memref_slice %arg3[%arg0, %mul3A_266] : memref<2x10240xf32, #tpu.memory_space<hbm>> -> memref<1x640xf32, #tpu.memory_space<hbm>>
      %dma_start3A_268 = tpu.memref_squeeze %dma_start3A_267 : memref<1x640xf32, #tpu.memory_space<hbm>> -> memref<640xf32, #tpu.memory_space<hbm>>
      %dma_start3A_269 = tpu.memref_slice %arg3[%arg0, %mul3A_266] : memref<2x10240xf32, #tpu.memory_space<hbm>> -> memref<1x640xf32, #tpu.memory_space<hbm>>
      %dma_start3A_270 = tpu.memref_squeeze %dma_start3A_269 : memref<1x640xf32, #tpu.memory_space<hbm>> -> memref<640xf32, #tpu.memory_space<hbm>>
      tpu.enqueue_dma source(%arg4 : memref<640xf32, #tpu.memory_space<vmem>>) target(%dma_start3A_270 : memref<640xf32, #tpu.memory_space<hbm>>) target_semaphore(%run_scoped3A : memref<!tpu.dma_semaphore, #tpu.memory_space<semaphore_mem>>)
      %dma_wait3A_271 = tpu.memref_slice %arg3[%arg0, %mul3A_266] : memref<2x10240xf32, #tpu.memory_space<hbm>> -> memref<1x640xf32, #tpu.memory_space<hbm>>
      %dma_wait3A_272 = tpu.memref_squeeze %dma_wait3A_271 : memref<1x640xf32, #tpu.memory_space<hbm>> -> memref<640xf32, #tpu.memory_space<hbm>>
      %dma_wait3A_273 = tpu.memref_slice %arg3[%arg0, %mul3A_266] : memref<2x10240xf32, #tpu.memory_space<hbm>> -> memref<1x640xf32, #tpu.memory_space<hbm>>
      %dma_wait3A_274 = tpu.memref_squeeze %dma_wait3A_273 : memref<1x640xf32, #tpu.memory_space<hbm>> -> memref<640xf32, #tpu.memory_space<hbm>>
      tpu.wait_dma2 semaphore(%run_scoped3A : memref<!tpu.dma_semaphore, #tpu.memory_space<semaphore_mem>>) src(%arg4 : memref<640xf32, #tpu.memory_space<vmem>>) dst(%dma_wait3A_274 : memref<640xf32, #tpu.memory_space<hbm>>)
      tpu.yield
    }) : () -> ()
    return
  }
}

module attributes {stable_mosaic.version = 14 : i64} {
  func.func @_tc_body(%arg0: memref<2x10240xf32, #tpu.memory_space<vmem>>, %arg1: memref<10000x128xf32, #tpu.memory_space<vmem>>, %arg2: memref<128x10xf32, #tpu.memory_space<vmem>>, %arg3: memref<1x10xf32, #tpu.memory_space<vmem>>, %arg4: memref<1x10xf32, #tpu.memory_space<vmem>>) attributes {dimension_semantics = [], scalar_prefetch = 0 : i64, scratch_operands = 0 : i64, tpu.core_type = #tpu.core_type<tc>} {
    %get3A = arith.constant 0 : index
    %get3A_0 = arith.constant 0 : index
    %get3A_1 = vector.load %arg0[%get3A, %get3A_0] : memref<2x10240xf32, #tpu.memory_space<vmem>>, vector<1x10000xf32>
    %get3A_2 = arith.constant 1 : index
    %get3A_3 = arith.constant 0 : index
    %get3A_4 = vector.load %arg0[%get3A_2, %get3A_3] : memref<2x10240xf32, #tpu.memory_space<vmem>>, vector<1x10000xf32>
    %add3A = arith.addf %get3A_1, %get3A_4 : vector<1x10000xf32>
    %get3A_5 = arith.constant 0 : index
    %get3A_6 = arith.constant 0 : index
    %get3A_7 = vector.load %arg1[%get3A_5, %get3A_6] : memref<10000x128xf32, #tpu.memory_space<vmem>>, vector<10000x128xf32>
    %dot_general3A = arith.constant dense<0.000000e+00> : vector<1x128xf32>
    %dot_general3A_8 = tpu.matmul %add3A, %get3A_7, %dot_general3A {dimension_numbers = #tpu.dot_dimension_numbers<[1], [0], [0], [1], [0, 0, 1, 1], [], []>, transpose_lhs_hint = false} : vector<1x10000xf32>, vector<10000x128xf32>, vector<1x128xf32> -> vector<1x128xf32>
    %reduce_sum3A = vector.shape_cast %add3A : vector<1x10000xf32> to vector<1x1x10000xf32>
    %reduce_sum3A_9 = arith.constant dense<0.000000e+00> : vector<1xf32>
    %reduce_sum3A_10 = vector.multi_reduction <add>, %reduce_sum3A, %reduce_sum3A_9 [1, 2] : vector<1x1x10000xf32> to vector<1xf32>
    %reduce_sum3A_11 = vector.shape_cast %reduce_sum3A_10 : vector<1xf32> to vector<1x1x1xf32>
    %reduce_sum3A_12 = vector.extract %reduce_sum3A_11[0, 0, 0] : f32 from vector<1x1x1xf32>
    %get3A_13 = arith.constant 0 : index
    %get3A_14 = arith.constant 0 : index
    %get3A_15 = vector.load %arg2[%get3A_13, %get3A_14] : memref<128x10xf32, #tpu.memory_space<vmem>>, vector<128x10xf32>
    %dot_general3A_16 = arith.constant dense<0.000000e+00> : vector<1x10xf32>
    %dot_general3A_17 = tpu.matmul %dot_general3A_8, %get3A_15, %dot_general3A_16 {dimension_numbers = #tpu.dot_dimension_numbers<[1], [0], [0], [1], [0, 0, 1, 1], [], []>, transpose_lhs_hint = false} : vector<1x128xf32>, vector<128x10xf32>, vector<1x10xf32> -> vector<1x10xf32>
    %get3A_18 = arith.constant 0 : index
    %get3A_19 = arith.constant 0 : index
    %get3A_20 = vector.load %arg3[%get3A_18, %get3A_19] : memref<1x10xf32, #tpu.memory_space<vmem>>, vector<1x10xf32>
    %mul3A = vector.broadcast %reduce_sum3A_12 : f32 to vector<1x10xf32>
    %mul3A_21 = arith.mulf %mul3A, %get3A_20 : vector<1x10xf32>
    %add3A_22 = arith.addf %dot_general3A_17, %mul3A_21 : vector<1x10xf32>
    %mul3A_23 = arith.constant 9.99999974E-5 : f32
    %mul3A_24 = vector.broadcast %mul3A_23 : f32 to vector<1x10xf32>
    %mul3A_25 = arith.mulf %add3A_22, %mul3A_24 : vector<1x10xf32>
    %swap3A = arith.constant 0 : index
    %swap3A_26 = arith.constant 0 : index
    %swap3A_27 = vector.load %arg4[%swap3A, %swap3A_26] : memref<1x10xf32, #tpu.memory_space<vmem>>, vector<1x10xf32>
    tpu.vector_store %arg4[%swap3A, %swap3A_26], %mul3A_25 {strides = array<i32>} : memref<1x10xf32, #tpu.memory_space<vmem>>, vector<1x10xf32>,
    return
  }
}

</mosaic_0001>

<sc_bundles>
// kernel: kernel.5.cloned.1.call-start
scs
__scs_entry_jumppad:
0x0: {  	(pc) =	sbr.rel $0x88, $3  }
0x1: {  	(tag) =	ssettag $0x0;
	lr =	simm.s32 $0x1  }
0x2: {  	[smem:$0x3F9D] =	sst lr;
	_ =	strace $0xD0000000  }
0x3: {  	_ = 	snop  }
0x4: {  	_ = 	snop  }
0x5: {  	_ = 	snop  }
0x6: {  	_ = 	snop  }
0x7: {  	_ = 	snop  }
__scs_overlays_trampoline_lowered:
0x8: {  	[smem:$0x3FAC] =	sst s0  }
0x9: {  	[smem:$0x3FAD] =	sst s1  }
0xa: {  	[smem:$0x3FAE] =	sst s2  }
0xb: {  	[smem:$0x3FAF] =	sst s3  }
0xc: {  	[smem:$0x3FB0] =	sst s4  }
0xd: {  	[smem:$0x3FB1] =	sst s5  }
0xe: {  	[smem:$0x3FB2] =	sst s6  }
0xf: {  	[smem:$0x3FB3] =	sst s7  }
0x10: {  	[smem:$0x3FB4] =	sst s8  }
0x11: {  	[smem:$0x3FB5] =	sst s9;
	s0 =	simm.s32 @!p0 $0x0  }
0x12: {  	s1 =	sld [smem:$0x3F9B];
	s0 =	simm.s32 @p0 $0x1  }
0x13: {  	[smem:$0x3FB6] =	sst s0;
	s0 =	simm.s32 @!p1 $0x0  }
0x14: {  	s2 =	sld [smem:$0x3F9A];
	s0 =	simm.s32 @p1 $0x1  }
0x15: {  	[smem:$0x3FB7] =	sst s0;
	s0 =	simm.s32 @!p2 $0x0  }
0x16: {  	s3 =	sld [smem:$0x3FDB];
	s0 =	simm.s32 @p2 $0x1  }
0x17: {  	s4 =	simm.s32 $0x1BF5;
	[smem:$0x3FB9] =	sst s0  }
0x18: {  	s0 =	sld [smem:$0x3F9C];
	_ =	swait.ge [sflag:s4], $0x0  }
0x19: {  	s7 =	sld [smem:$0x3F9D]  }
0x1a: {  	s8 =	sadd.s32 $0xFFFFE003, lr  }
0x1b: {  	s9 =	sadd.s32 $0xFFFFFEF7, lr;
	s5 =	simm.s32 $0xFFFFFFFF;
	p2 =	slt.u32 s8, $0xFFFFF086  }
0x1c: {  	p1 =	slt.u32 s9, $0xF7A;
	s5 =	simm.s32 @!p2 $0x0  }
0x1d: {  	s5 =	simm.s32 @p1 $0x1;
	p0 =	seq.s32 s7, s2  }
0x1e: {  	s7 =	smul.u32 @!p0 $0xF7A, s2;
	p2 =	seq.s32 @!p0 s5, $0x0  }
0x1f: {  	s9 =	smul.u32 $0xF7A, s1;
	s8 =	simm.s32 @!p0 $0x1BF5;
	p2 =	por !p2, p0  }
0x20: {  	[sflag:s8] =	ssyncset.s32 @!p0 $0xFFFFF086;
	s6 =	sadd.s32 @!p0 s3, s7;
	s7 =	simm.s32 @!p0 $0x108  }
0x21: {  	s3 =	sadd.s32 s3, s9;
	s6 =	sadd.s32 @!p0 $0x88, s6;
	s7 =	simm.s32 @p2 $0x1082  }
0x22: {  	[simem:s7], [sflag:s8] =	dma.local @!p0 [hbm:s6], $0xF7A  }
0x23: {  	s9 =	sor.u32 $0xD0000000, s2;
	s6 =	simm.s32 $0x108;
	_ =	swait.ge @!p0 [sflag:s8], $0x0  }
0x24: {  	s3 =	sadd.s32 $0x88, s3;
	s6 =	simm.s32 @!p1 $0x1082;
	[sflag:s4] =	ssyncset.s32 $0xFFFFF086  }
0x25: {  	[simem:s6], [sflag:s4] =	dma.local [hbm:s3], $0xF7A  }
0x26: {  	[smem:$0x3F9D] =	sst s1;
	(tag) =	ssettag s2;
	_ =	strace s9  }
0x27: {  	s1 =	sld [smem:$0x3FAD]  }
0x28: {  	s2 =	sld [smem:$0x3FAE]  }
0x29: {  	s4 =	sld [smem:$0x3FB0]  }
0x2a: {  	p0 =	seq.s32 s5, $0x0;
	s5 =	sld [smem:$0x3FB1]  }
0x2b: {  	s6 =	sld [smem:$0x3FB2]  }
0x2c: {  	s7 =	sld [smem:$0x3FB3]  }
0x2d: {  	s3 =	simm.s32 $0x108;
	s8 =	sld [smem:$0x3FB4]  }
0x2e: {  	s3 =	simm.s32 @!p0 $0x1082;
	s9 =	sld [smem:$0x3FB5]  }
0x2f: {  	lr =	sadd.s32 s0, s3;
	s0 =	sld [smem:$0x3FAC]  }
0x30: {  	s3 =	sld [smem:$0x3FAF]  }
0x31: {  	[smem:$0x3FB8] =	sst s10  }
0x32: {  	s10 =	sld [smem:$0x3FB6];
	_ =	sdelay $0x3  }
0x33: {  	p0 =	seq.s32 s10, $0x1;
	s10 =	sld [smem:$0x3FB8];
	_ =	sdelay $0x3  }
0x34: {  	[smem:$0x3FB8] =	sst s10  }
0x35: {  	s10 =	sld [smem:$0x3FB7];
	_ =	sdelay $0x3  }
0x36: {  	p1 =	seq.s32 s10, $0x1;
	s10 =	sld [smem:$0x3FB8];
	_ =	sdelay $0x3  }
0x37: {  	[smem:$0x3FB8] =	sst s10  }
0x38: {  	s10 =	sld [smem:$0x3FB9]  }
0x39: {  	_ = 	snop;
	(pc) =	sbr.ind lr, $3  }
0x3a: {  	_ = 	snop  }
0x3b: {  	_ = 	snop  }
0x3c: {  	p2 =	seq.s32 s10, $0x1;
	s10 =	sld [smem:$0x3FB8]  }
0x3d: {  	_ =	shalt  }
0x3e: {  	_ =	shalt  }
0x3f: {  	_ =	shalt  }
0x40: {  	_ =	shalt  }
0x41: {  	_ =	shalt  }
0x42: {  	_ =	shalt  }
0x43: {  	_ =	shalt  }
0x44: {  	_ =	shalt  }
0x45: {  	_ =	shalt  }
0x46: {  	_ =	shalt  }
0x47: {  	_ =	shalt  }
0x48: {  	_ =	shalt  }
0x49: {  	_ =	shalt  }
0x4a: {  	_ =	shalt  }
0x4b: {  	_ =	shalt  }
0x4c: {  	_ =	shalt  }
0x4d: {  	_ =	shalt  }
0x4e: {  	_ =	shalt  }
0x4f: {  	_ =	shalt  }
0x50: {  	_ =	shalt  }
0x51: {  	_ =	shalt  }
0x52: {  	_ =	shalt  }
0x53: {  	_ =	shalt  }
0x54: {  	_ =	shalt  }
0x55: {  	_ =	shalt  }
0x56: {  	_ =	shalt  }
0x57: {  	_ =	shalt  }
0x58: {  	_ =	shalt  }
0x59: {  	_ =	shalt  }
0x5a: {  	_ =	shalt  }
0x5b: {  	_ =	shalt  }
0x5c: {  	_ =	shalt  }
0x5d: {  	_ =	shalt  }
0x5e: {  	_ =	shalt  }
0x5f: {  	_ =	shalt  }
0x60: {  	_ =	shalt  }
0x61: {  	_ =	shalt  }
0x62: {  	_ =	shalt  }
0x63: {  	_ =	shalt  }
0x64: {  	_ =	shalt  }
0x65: {  	_ =	shalt  }
0x66: {  	_ =	shalt  }
0x67: {  	_ =	shalt  }
0x68: {  	_ =	shalt  }
0x69: {  	_ =	shalt  }
0x6a: {  	_ =	shalt  }
0x6b: {  	_ =	shalt  }
0x6c: {  	_ =	shalt  }
0x6d: {  	_ =	shalt  }
0x6e: {  	_ =	shalt  }
0x6f: {  	_ =	shalt  }
0x70: {  	_ =	shalt  }
0x71: {  	_ =	shalt  }
0x72: {  	_ =	shalt  }
0x73: {  	_ =	shalt  }
0x74: {  	_ =	shalt  }
0x75: {  	_ =	shalt  }
0x76: {  	_ =	shalt  }
0x77: {  	_ =	shalt  }
0x78: {  	_ =	shalt  }
0x79: {  	_ =	shalt  }
0x7a: {  	_ =	shalt  }
0x7b: {  	_ =	shalt  }
0x7c: {  	_ =	shalt  }
0x7d: {  	_ =	shalt  }
0x7e: {  	_ =	shalt  }
0x7f: {  	_ =	shalt  }
0x80: {  	_ =	shalt  }
0x81: {  	_ =	shalt  }
0x82: {  	_ =	shalt  }
0x83: {  	_ =	shalt  }
0x84: {  	_ =	shalt  }
0x85: {  	_ =	shalt  }
0x86: {  	_ =	shalt  }
0x87: {  	_ =	shalt  }
.Lfunc_end0:
.L_simem_size_0:
called_computation_lowered:
.L_overlay_start_0:
0x88: {  	s2 =	sld [smem:$0x3FD9]  }
0x89: {  	s3 =	sld [smem:$0x3FFE];
	_ =	sdelay $0x1  }
0x8a: {  	s1 =	srdreg.scid  }
0x8b: {  	s0 =	sand.u32 $0x1, s1  }
0x8c: {  	s16 =	sshll.u32 s0, $0xA;
	s2 =	sadd.s32 s3, s2  }
0x8d: {  	s2 =	sadd.s32 s2, s16  }
0x8e: {  	[smem:$0x3FC4] =	sst s2  }
0x8f: {  	_ = 	snop  }
0x90: {  	(tm) =	ssettm $0x1  }
0x91: {  	s17 =	sld [smem:$0x3FFB];
	_ =	sdelay $0x3  }
0x92: {  	_ =	strace s17  }
0x93: {  	s2 =	sld [smem:$0x3FFC];
	_ =	sdelay $0x3  }
0x94: {  	_ =	strace s2  }
0x95: {  	s2 =	sld [smem:$0x3FFD];
	_ =	sdelay $0x3  }
0x96: {  	_ =	strace s2  }
0x97: {  	_ =	strace $0x8FFFFFFF  }
0x98: {  	s18 =	sld [smem:$0x3FDB];
	_ =	sdelay $0x1  }
0x99: {  	s19 =	simm.s32 $_scs_section_size  }
0x9a: {  	s4 =	simm.s32 $_size__tile_overlayer_lowered;
	s5 =	simm.s32 $_tile_overlayer_lowered  }
0x9b: {  	s22 =	simm.s32 $0x1BFF;
	s21 =	sshll.u32 s5, $0x1;
	s2 =	sadd.s32 s19, s18  }
0x9c: {  	s6 =	simm.s32 $0x0;
	s20 =	sshll.u32 s4, $0x1;
	s4 =	sadd.s32 s21, s2  }
0x9d: {  	[timem:s6], [sflag:s22] =	dma.local [hbm:s4], s20  }
0x9e: {  	_ =	swait.ge [sflag:s22], s20  }
0x9f: {  	s3 =	ssub.s32 $0x0, s20;
	[sflag:s22] =	ssyncset.done $0x0  }
0xa0: {  	[sflag:s22] =	ssyncadd.s32 s3;
	_ =	sdelay $0x1  }
0xa1: {  	s23 =	simm.s32 $0x1B8B  }
0xa2: {  	_ =	swait.ge [sflag:s23], $0x1  }
0xa3: {  	[sflag:s23] =	ssyncset.done $0x0  }
0xa4: {  	s25 =	simm.s32 $0x1B8E;
	s24 =	sld [smem:$0x3FFE];
	[sflag:s23] =	ssyncadd.s32 $0xFFFFFFFF  }
0xa5: {  	s26 =	simm.s32 $execute0_lowered;
	[smem:$0x3FD2] =	sst s25  }
0xa6: {  	s4 =	sshll.u32 s26, $0x1;
	_ =	strace $0x80000046;
	[dreg:$0x1] =	wrdreg $0xFFFFFFFF  }
0xa7: {  	s28 =	simm.s32 $_size_execute0_lowered;
	s2 =	sadd.s32 s2, s4;
	[dreg:$0x0] =	wrdreg $0x0  }
0xa8: {  	s4 =	sshll.u32 s28, $0x1;
	[dreg:$0x2] =	wrdreg s2  }
0xa9: {  	[dreg:$0x3] =	wrdreg s4  }
0xaa: {  	[dreg:$0x4] =	wrdreg $0xC0  }
0xab: {  	_ =	task [dreg:s6], $0x5FFFF  }
0xac: {  	[dreg:$0x1] =	wrdreg $0xFFFFFFFF  }
0xad: {  	[dreg:$0x0] =	wrdreg $0x60  }
0xae: {  	[dreg:$0x2] =	wrdreg s24  }
0xaf: {  	[dreg:$0x3] =	wrdreg $0x2A800  }
0xb0: {  	[dreg:$0x4] =	wrdreg $0x9  }
0xb1: {  	_ =	task.clear_ibuf [dreg:s6], $0x5FFFF;
	_ =	strace $0x90000046  }
0xb2: {  	s29 =	simm.s32 $0x9;
	_ =	strace $0x80000048  }
0xb3: {  	_ =	swait.ge [sflag:s29], $0x1  }
0xb4: {  	[sflag:s29] =	ssyncadd.s32 $0xFFFFFFFF  }
0xb5: {  	_ =	strace $0x90000048  }
0xb6: {  	_ =	sfence  }
0xb7: {  	s30 =	sld [smem:$0x0];
	_ =	sdelay $0x2  }
0xb8: {  	s31 =	sshll.u32 s1, $0xD;
	s1 =	sshrl.u32 s1, $0x2  }
0xb9: {  	s3 =	sand.u32 $0x4000, s31;
	s1 =	sadd.s32 s1, s30  }
0xba: {  	s0 =	sor.u32 s3, s0;
	s1 =	sshll.u32 s1, $0x11  }
0xbb: {  	s0 =	sor.u32 s1, s0  }
0xbc: {  	s0 =	sadd.s32 $0x8F2B, s0  }
0xbd: {  	[sflag:s0] =	ssyncadd.remote.s32 $0x1  }
0xbe: {  	_ =	sfence.sel $0xFFFF  }
0xbf: {  	[dreg:$0x0] =	wrdreg $0xFFFFFFFF;
	(pc) =	sbr.abs _section_cstart, $3  }
0xc0: {  	[dreg:$0x1] =	wrdreg $0xFFFFFFFF  }
0xc1: {  	_ =	task.clear_ibuf [dreg:s6], $0x2FFFF;
	_ =	strace $0x9FFFFFFF  }
0xc2: {  	(tm) =	ssettm $0x7FFFFFFF  }
0xc3: {  	_ =	shalt  }
tec
execute0_lowered:
.L_overlay_start_1:
0x0: {  	(tag) =	ssettag $0x1  }
0x1: {  	s5 =	rddreg [dreg:$0x0]  }
0x2: {  	s0 =	srdreg.scid;
	s2 =	rddreg [dreg:$0x1];
	s3 =	simm.s32 $0x0  }
0x3: {  	s13 =	simm.s32 $0x80;
	s14 =	simm.s32 $0x280;
	s15 =	simm.s32 $0x2  }
0x4: {  	s16 =	simm.s32 $0x100;
	s17 =	simm.s32 $0x0;
	s4 =	sand.u32 $0x1, s0  }
0x5: {  	s0 =	stileid.u32;
	[smem:$0x7FF] =	sst s3;
	s1 =	sshll.u32 s4, $0x4  }
0x6: {  	s8 =	smul.u32 $0x500, s0;
	s29 =	sshll.u32 s4, $0x7;
	s30 =	ssub.s32 $0x2, s4  }
0x7: {  	s4 =	simm.s32 $0x4F;
	s11 =	smul.u32 $0xA00, s0;
	s10 =	sor.u32 s0, s1  }
0x8: {  	s1 =	rddreg [dreg:$0x2];
	_ =	strace $0x80000047;
	s9 =	sshrl.u32 s30, $0x1  }
0x9: {  	s6 =	smul.u32 $0x4E, s10;
	s7 =	smin.u32 s10, $0x4;
	p0 =	slt.u32 s10, $0x4  }
0xa: {  	s9 =	ssub.s32 s30, s9;
	s31 =	sshrl.u32 s11, $0x2;
	s11 =	simm.s32 $0x3  }
0xb: {  	s4 =	simm.s32 @!p0 $0x4E;
	s9 =	smax.u32 s9, $0x1;
	s6 =	sadd.s32 s7, s6  }
0xc: {  	p0 =	sgt.u32 s10, $0x3;
	s7 =	sor.u32 s29, s8;
	s6 =	sshll.u32 s6, $0x4  }
0xd: {  	s10 =	simm.s32 $0x300;
	s7 =	sshrl.u32 s7, $0x3;
	s6 =	sadd.s32 s6, s5  }
0xe: {  	s12 =	sadd.s32 s7, s5;
	s7 =	sadd.s32 s31, s2;
	s5 =	sadd.s32 $0xB240, s6  }
0xf: {  	v0 =	vimm.f32 $0.0e+00;
	v1 =	vimm.f32 $1.000000000e+00;
	s6 =	sadd.s32 $0xB720, s6;
	s8 =	sadd.s32 $0x15000, s12;
	s12 =	simm.s32 $0x1  }
.LBB2_1:
0x10: {  	[tilespmem:s10], [sflag:$0x1] =	stream.linear.gather [hbm4b:s5+s3], $0x2700, $0x38;
	[tilespmem:$0x2D00] =	vst v63  }
0x11: {  	s18 =	simm.s32 @!p0 $0x0;
	s19 =	simm.s32 @!p0 $0x2A00  }
0x12: {  	[tilespmem:s19], [sflag:$0x1] =	stream.linear.gather @!p0 [hbm4b:s6+s18], $0x80, $0x38;
	[tilespmem:$0x2D00] =	vst v63  }
0x13: {  	[tilespmem:$0x0] =	vst v0  }
0x14: {  	[tilespmem:$0x10] =	vst v0  }
0x15: {  	[tilespmem:$0x20] =	vst v0  }
0x16: {  	[tilespmem:$0x30] =	vst v0  }
0x17: {  	[tilespmem:$0x40] =	vst v0  }
0x18: {  	[tilespmem:$0x50] =	vst v0  }
0x19: {  	[tilespmem:$0x60] =	vst v0  }
0x1a: {  	[tilespmem:$0x70] =	vst v0  }
0x1b: {  	[tilespmem:$0x80] =	vst v0  }
0x1c: {  	[tilespmem:$0x90] =	vst v0  }
0x1d: {  	[tilespmem:$0xA0] =	vst v0  }
0x1e: {  	[tilespmem:$0xB0] =	vst v0  }
0x1f: {  	[tilespmem:$0xC0] =	vst v0  }
0x20: {  	[tilespmem:$0xD0] =	vst v0  }
0x21: {  	[tilespmem:$0xE0] =	vst v0  }
0x22: {  	[tilespmem:$0xF0] =	vst v0  }
0x23: {  	[tilespmem:$0x100] =	vst v0  }
0x24: {  	[tilespmem:$0x110] =	vst v0  }
0x25: {  	[tilespmem:$0x120] =	vst v0  }
0x26: {  	[tilespmem:$0x130] =	vst v0  }
0x27: {  	[tilespmem:$0x140] =	vst v0  }
0x28: {  	[tilespmem:$0x150] =	vst v0  }
0x29: {  	[tilespmem:$0x160] =	vst v0  }
0x2a: {  	[tilespmem:$0x170] =	vst v0  }
0x2b: {  	[tilespmem:$0x180] =	vst v0  }
0x2c: {  	[tilespmem:$0x190] =	vst v0  }
0x2d: {  	[tilespmem:$0x1A0] =	vst v0  }
0x2e: {  	[tilespmem:$0x1B0] =	vst v0  }
0x2f: {  	[tilespmem:$0x1C0] =	vst v0  }
0x30: {  	[tilespmem:$0x1D0] =	vst v0  }
0x31: {  	[tilespmem:$0x1E0] =	vst v0  }
0x32: {  	[tilespmem:$0x1F0] =	vst v0  }
0x33: {  	[tilespmem:$0x200] =	vst v0  }
0x34: {  	[tilespmem:$0x210] =	vst v0  }
0x35: {  	[tilespmem:$0x220] =	vst v0  }
0x36: {  	[tilespmem:$0x230] =	vst v0  }
0x37: {  	[tilespmem:$0x240] =	vst v0  }
0x38: {  	[tilespmem:$0x250] =	vst v0  }
0x39: {  	[tilespmem:$0x260] =	vst v0  }
0x3a: {  	[tilespmem:$0x270] =	vst v0  }
0x3b: {  	[spmem:s7] =	stream.linear.scatter [tilespmem:s3], [sflag:$0x3], $0x280, $0x38;
	[tilespmem:$0x2D00] =	vst v63  }
0x3c: {  	_ =	swait.ge [sflag:s11], $0x280  }
0x3d: {  	[sflag:s11] =	ssyncset.done $0x0  }
0x3e: {  	[sflag:s11] =	ssyncadd.s32 $0xFFFFFD80  }
0x3f: {  	[tilespmem:$0x280] =	vst v1  }
0x40: {  	[tilespmem:$0x290] =	vst v1  }
0x41: {  	[tilespmem:$0x2A0] =	vst v1  }
0x42: {  	[tilespmem:$0x2B0] =	vst v1  }
0x43: {  	[tilespmem:$0x2C0] =	vst v1  }
0x44: {  	[tilespmem:$0x2D0] =	vst v1  }
0x45: {  	[tilespmem:$0x2E0] =	vst v1  }
0x46: {  	[tilespmem:$0x2F0] =	vst v1  }
0x47: {  	_ =	swait.ge [sflag:s12], $0x2700  }
0x48: {  	[sflag:s12] =	ssyncset.done $0x0  }
0x49: {  	p1 =	sne.s32 s4, $0x1;
	s18 =	simm.s32 @!p0 $0x1;
	[sflag:s12] =	ssyncadd.s32 $0xFFFFD900  }
.Ltmp0:
0x4a: {  	_ =	swait.ge @!p0 [sflag:s18], $0x80;
	(pc) =	sbr.rel @!p1 .LBB2_3-.Ltmp0, $4  }
0x4b: {  	[sflag:s18] =	ssyncset.done @!p0 $0x0  }
0x4c: {  	[sflag:s18] =	ssyncadd.s32 @!p0 $0xFFFFFF80  }
0x4d: {  	s19 =	simm.s32 $0x300;
	s18 =	sadd.s32 $0xFFFFFFFF, s4;
	[bflag:$0x0] =	sbarrier.arrive $0xFFFF  }
0x4e: {  	[spmem:s2] =	stream.indirect.scatter.add.f32 [tilespmem:s14], [sflag:$0x2], $0x1, s10, s13, $0xb8;
	[tilespmem:$0x2D00] =	vst v63  }
.LBB2_2:
0x4f: {  	p2 =	sne.s32 s18, $0x1  }
.Ltmp1:
0x50: {  	_ = 	snop;
	(pc) =	sbr.rel @p2 .LBB2_2-.Ltmp1, $3  }
0x51: {  	_ = 	snop  }
0x52: {  	s18 =	sadd.s32 $0xFFFFFFFF, s18;
	s19 =	sadd.s32 $0x80, s19;
	_ =	sdelay $0x1  }
0x53: {  	[spmem:s2] =	stream.indirect.scatter.add.f32 [tilespmem:s14], [sflag:$0x2], $0x1, s19, s13, $0xb8;
	[tilespmem:$0x2D00] =	vst v63  }
.LBB2_3:
.Ltmp2:
0x54: {  	(pc) =	sbr.rel @!p1 .LBB2_5-.Ltmp2, $3  }
0x55: {  	_ =	sdelay $0x1  }
0x56: {  	_ =	swait.ge [sflag:s15], $0x80  }
0x57: {  	s18 =	sadd.s32 $0xFFFFFFFF, s4;
	[sflag:s15] =	ssyncset.done $0x0  }
.LBB2_4:
0x58: {  	p1 =	sne.s32 s18, $0x1;
	s18 =	sadd.s32 $0xFFFFFFFF, s18;
	[sflag:s15] =	ssyncadd.s32 $0xFFFFFF80  }
.Ltmp3:
0x59: {  	(pc) =	sbr.rel @p1 .LBB2_4-.Ltmp3, $3  }
0x5a: {  	_ =	sdelay $0x1  }
0x5b: {  	_ =	swait.ge [sflag:s15], $0x80  }
0x5c: {  	[sflag:s15] =	ssyncset.done $0x0  }
.LBB2_5:
0x5d: {  	[sflag:s15] =	ssyncadd.s32 $0xFFFFFF80  }
0x5e: {  	[bflag:$0x0] =	sbarrier.arrive $0xFFFF  }
0x5f: {  	[tilespmem:s3], [sflag:$0x3] =	stream.linear.gather [spmem:s7], $0x280, $0x38;
	[tilespmem:$0x2D00] =	vst v63  }
0x60: {  	s17 =	sadd.s32 $0x1, s17;
	_ =	swait.ge [sflag:s11], $0x280  }
0x61: {  	p1 =	sne.s32 s17, s9;
	[sflag:s11] =	ssyncset.done $0x0  }
.Ltmp4:
0x62: {  	[sflag:s11] =	ssyncadd.s32 $0xFFFFFD80;
	(pc) =	sbr.rel @p1 .LBB2_1-.Ltmp4, $4  }
0x63: {  	[hbm4b:s8+s13] =	stream.strided.scatter [tilespmem:s3], [sflag:$0x3], $0x280, s16, s13, $0x38;
	[tilespmem:$0x2D00] =	vst v63  }
0x64: {  	_ =	swait.ge [sflag:s11], $0x280  }
0x65: {  	[sflag:s11] =	ssyncset.done $0x0  }
0x66: {  	[sflag:s11] =	ssyncadd.s32 $0xFFFFFD80  }
0x67: {  	_ =	sfence.sel $0x180000  }
0x68: {  	[bflag:$0x0] =	sbarrier.arrive $0xFFFF  }
0x69: {  	p0 =	sne.s32 s0, $0x0;
	_ =	strace $0x90000047  }
0x6a: {  	s0 =	sadd.s32 @!p0 $0x100000, s1;
	[bflag:$0x2] =	sbarrier.arrive $0xFFFF  }
0x6b: {  	[sflag:s0] =	ssyncadd.tile.s32 @!p0 $0x1;
	_ =	shalt  }
.Lfunc_end2:
_tile_overlayer_lowered:
.L_overlay_start_2:
0x6c: {  	(tag) =	ssettag $0x2  }
0x6d: {  	s0 =	rddreg [dreg:$0x0];
	s2 =	stileid.u32  }
0x6e: {  	s1 =	rddreg [dreg:$0x1];
	p0 =	sne.s32 s2, $0x0  }
0x6f: {  	s3 =	rddreg [dreg:$0x2];
	[bflag:$0x3] =	sbarrier.arrive $0xFFFF;
	s2 =	simm.s32 @!p0 $0x1C03  }
0x70: {  	[timem:s3], [sflag:s2] =	dma.local @!p0 [hbm:s0], s1  }
0x71: {  	s0 =	simm.s32 @!p0 $0x3  }
0x72: {  	_ =	swait.ge @!p0 [sflag:s0], s1  }
0x73: {  	s1 =	ssub.s32 @!p0 $0x0, s1;
	[sflag:s0] =	ssyncset.done @!p0 $0x0  }
0x74: {  	[sflag:s0] =	ssyncadd.s32 @!p0 s1  }
0x75: {  	[bflag:$0x3] =	sbarrier.arrive $0xFFFF  }
0x76: {  	_ =	shalt  }

// kernel: kernel.8.cloned.1.call-start
scs
__scs_entry_jumppad:
0x0: {  	(pc) =	sbr.rel $0x88, $3  }
0x1: {  	(tag) =	ssettag $0x0;
	lr =	simm.s32 $0x1  }
0x2: {  	[smem:$0x3F9D] =	sst lr;
	_ =	strace $0xD0000000  }
0x3: {  	_ = 	snop  }
0x4: {  	_ = 	snop  }
0x5: {  	_ = 	snop  }
0x6: {  	_ = 	snop  }
0x7: {  	_ = 	snop  }
__scs_overlays_trampoline_lowered:
0x8: {  	[smem:$0x3FAC] =	sst s0  }
0x9: {  	[smem:$0x3FAD] =	sst s1  }
0xa: {  	[smem:$0x3FAE] =	sst s2  }
0xb: {  	[smem:$0x3FAF] =	sst s3  }
0xc: {  	[smem:$0x3FB0] =	sst s4  }
0xd: {  	[smem:$0x3FB1] =	sst s5  }
0xe: {  	[smem:$0x3FB2] =	sst s6  }
0xf: {  	[smem:$0x3FB3] =	sst s7  }
0x10: {  	[smem:$0x3FB4] =	sst s8  }
0x11: {  	[smem:$0x3FB5] =	sst s9;
	s0 =	simm.s32 @!p0 $0x0  }
0x12: {  	s1 =	sld [smem:$0x3F9B];
	s0 =	simm.s32 @p0 $0x1  }
0x13: {  	[smem:$0x3FB6] =	sst s0;
	s0 =	simm.s32 @!p1 $0x0  }
0x14: {  	s2 =	sld [smem:$0x3F9A];
	s0 =	simm.s32 @p1 $0x1  }
0x15: {  	[smem:$0x3FB7] =	sst s0;
	s0 =	simm.s32 @!p2 $0x0  }
0x16: {  	s3 =	sld [smem:$0x3FDB];
	s0 =	simm.s32 @p2 $0x1  }
0x17: {  	s4 =	simm.s32 $0x1BF5;
	[smem:$0x3FB9] =	sst s0  }
0x18: {  	s0 =	sld [smem:$0x3F9C];
	_ =	swait.ge [sflag:s4], $0x0  }
0x19: {  	s7 =	sld [smem:$0x3F9D]  }
0x1a: {  	s8 =	sadd.s32 $0xFFFFE003, lr  }
0x1b: {  	s9 =	sadd.s32 $0xFFFFFEF7, lr;
	s5 =	simm.s32 $0xFFFFFFFF;
	p2 =	slt.u32 s8, $0xFFFFF086  }
0x1c: {  	p1 =	slt.u32 s9, $0xF7A;
	s5 =	simm.s32 @!p2 $0x0  }
0x1d: {  	s5 =	simm.s32 @p1 $0x1;
	p0 =	seq.s32 s7, s2  }
0x1e: {  	s7 =	smul.u32 @!p0 $0xF7A, s2;
	p2 =	seq.s32 @!p0 s5, $0x0  }
0x1f: {  	s9 =	smul.u32 $0xF7A, s1;
	s8 =	simm.s32 @!p0 $0x1BF5;
	p2 =	por !p2, p0  }
0x20: {  	[sflag:s8] =	ssyncset.s32 @!p0 $0xFFFFF086;
	s6 =	sadd.s32 @!p0 s3, s7;
	s7 =	simm.s32 @!p0 $0x108  }
0x21: {  	s3 =	sadd.s32 s3, s9;
	s6 =	sadd.s32 @!p0 $0x88, s6;
	s7 =	simm.s32 @p2 $0x1082  }
0x22: {  	[simem:s7], [sflag:s8] =	dma.local @!p0 [hbm:s6], $0xF7A  }
0x23: {  	s9 =	sor.u32 $0xD0000000, s2;
	s6 =	simm.s32 $0x108;
	_ =	swait.ge @!p0 [sflag:s8], $0x0  }
0x24: {  	s3 =	sadd.s32 $0x88, s3;
	s6 =	simm.s32 @!p1 $0x1082;
	[sflag:s4] =	ssyncset.s32 $0xFFFFF086  }
0x25: {  	[simem:s6], [sflag:s4] =	dma.local [hbm:s3], $0xF7A  }
0x26: {  	[smem:$0x3F9D] =	sst s1;
	(tag) =	ssettag s2;
	_ =	strace s9  }
0x27: {  	s1 =	sld [smem:$0x3FAD]  }
0x28: {  	s2 =	sld [smem:$0x3FAE]  }
0x29: {  	s4 =	sld [smem:$0x3FB0]  }
0x2a: {  	p0 =	seq.s32 s5, $0x0;
	s5 =	sld [smem:$0x3FB1]  }
0x2b: {  	s6 =	sld [smem:$0x3FB2]  }
0x2c: {  	s7 =	sld [smem:$0x3FB3]  }
0x2d: {  	s3 =	simm.s32 $0x108;
	s8 =	sld [smem:$0x3FB4]  }
0x2e: {  	s3 =	simm.s32 @!p0 $0x1082;
	s9 =	sld [smem:$0x3FB5]  }
0x2f: {  	lr =	sadd.s32 s0, s3;
	s0 =	sld [smem:$0x3FAC]  }
0x30: {  	s3 =	sld [smem:$0x3FAF]  }
0x31: {  	[smem:$0x3FB8] =	sst s10  }
0x32: {  	s10 =	sld [smem:$0x3FB6];
	_ =	sdelay $0x3  }
0x33: {  	p0 =	seq.s32 s10, $0x1;
	s10 =	sld [smem:$0x3FB8];
	_ =	sdelay $0x3  }
0x34: {  	[smem:$0x3FB8] =	sst s10  }
0x35: {  	s10 =	sld [smem:$0x3FB7];
	_ =	sdelay $0x3  }
0x36: {  	p1 =	seq.s32 s10, $0x1;
	s10 =	sld [smem:$0x3FB8];
	_ =	sdelay $0x3  }
0x37: {  	[smem:$0x3FB8] =	sst s10  }
0x38: {  	s10 =	sld [smem:$0x3FB9]  }
0x39: {  	_ = 	snop;
	(pc) =	sbr.ind lr, $3  }
0x3a: {  	_ = 	snop  }
0x3b: {  	_ = 	snop  }
0x3c: {  	p2 =	seq.s32 s10, $0x1;
	s10 =	sld [smem:$0x3FB8]  }
0x3d: {  	_ =	shalt  }
0x3e: {  	_ =	shalt  }
0x3f: {  	_ =	shalt  }
0x40: {  	_ =	shalt  }
0x41: {  	_ =	shalt  }
0x42: {  	_ =	shalt  }
0x43: {  	_ =	shalt  }
0x44: {  	_ =	shalt  }
0x45: {  	_ =	shalt  }
0x46: {  	_ =	shalt  }
0x47: {  	_ =	shalt  }
0x48: {  	_ =	shalt  }
0x49: {  	_ =	shalt  }
0x4a: {  	_ =	shalt  }
0x4b: {  	_ =	shalt  }
0x4c: {  	_ =	shalt  }
0x4d: {  	_ =	shalt  }
0x4e: {  	_ =	shalt  }
0x4f: {  	_ =	shalt  }
0x50: {  	_ =	shalt  }
0x51: {  	_ =	shalt  }
0x52: {  	_ =	shalt  }
0x53: {  	_ =	shalt  }
0x54: {  	_ =	shalt  }
0x55: {  	_ =	shalt  }
0x56: {  	_ =	shalt  }
0x57: {  	_ =	shalt  }
0x58: {  	_ =	shalt  }
0x59: {  	_ =	shalt  }
0x5a: {  	_ =	shalt  }
0x5b: {  	_ =	shalt  }
0x5c: {  	_ =	shalt  }
0x5d: {  	_ =	shalt  }
0x5e: {  	_ =	shalt  }
0x5f: {  	_ =	shalt  }
0x60: {  	_ =	shalt  }
0x61: {  	_ =	shalt  }
0x62: {  	_ =	shalt  }
0x63: {  	_ =	shalt  }
0x64: {  	_ =	shalt  }
0x65: {  	_ =	shalt  }
0x66: {  	_ =	shalt  }
0x67: {  	_ =	shalt  }
0x68: {  	_ =	shalt  }
0x69: {  	_ =	shalt  }
0x6a: {  	_ =	shalt  }
0x6b: {  	_ =	shalt  }
0x6c: {  	_ =	shalt  }
0x6d: {  	_ =	shalt  }
0x6e: {  	_ =	shalt  }
0x6f: {  	_ =	shalt  }
0x70: {  	_ =	shalt  }
0x71: {  	_ =	shalt  }
0x72: {  	_ =	shalt  }
0x73: {  	_ =	shalt  }
0x74: {  	_ =	shalt  }
0x75: {  	_ =	shalt  }
0x76: {  	_ =	shalt  }
0x77: {  	_ =	shalt  }
0x78: {  	_ =	shalt  }
0x79: {  	_ =	shalt  }
0x7a: {  	_ =	shalt  }
0x7b: {  	_ =	shalt  }
0x7c: {  	_ =	shalt  }
0x7d: {  	_ =	shalt  }
0x7e: {  	_ =	shalt  }
0x7f: {  	_ =	shalt  }
0x80: {  	_ =	shalt  }
0x81: {  	_ =	shalt  }
0x82: {  	_ =	shalt  }
0x83: {  	_ =	shalt  }
0x84: {  	_ =	shalt  }
0x85: {  	_ =	shalt  }
0x86: {  	_ =	shalt  }
0x87: {  	_ =	shalt  }
.Lfunc_end0:
.L_simem_size_0:
called_computation.1_lowered:
.L_overlay_start_0:
0x88: {  	s2 =	sld [smem:$0x3FD9]  }
0x89: {  	s3 =	sld [smem:$0x3FFE];
	_ =	sdelay $0x1  }
0x8a: {  	s1 =	srdreg.scid  }
0x8b: {  	s0 =	sand.u32 $0x1, s1  }
0x8c: {  	s16 =	sshll.u32 s0, $0xA;
	s2 =	sadd.s32 s3, s2  }
0x8d: {  	s2 =	sadd.s32 s2, s16  }
0x8e: {  	[smem:$0x3FC4] =	sst s2  }
0x8f: {  	_ = 	snop  }
0x90: {  	(tm) =	ssettm $0x1  }
0x91: {  	s17 =	sld [smem:$0x3FFB];
	_ =	sdelay $0x3  }
0x92: {  	_ =	strace s17  }
0x93: {  	s2 =	sld [smem:$0x3FFC];
	_ =	sdelay $0x3  }
0x94: {  	_ =	strace s2  }
0x95: {  	s2 =	sld [smem:$0x3FFD];
	_ =	sdelay $0x3  }
0x96: {  	_ =	strace s2  }
0x97: {  	_ =	strace $0x8FFFFFFF  }
0x98: {  	s18 =	sld [smem:$0x3FDB];
	_ =	sdelay $0x1  }
0x99: {  	s19 =	simm.s32 $_scs_section_size  }
0x9a: {  	s4 =	simm.s32 $_size__tile_overlayer_lowered;
	s5 =	simm.s32 $_tile_overlayer_lowered  }
0x9b: {  	s22 =	simm.s32 $0x1BFF;
	s21 =	sshll.u32 s5, $0x1;
	s2 =	sadd.s32 s19, s18  }
0x9c: {  	s6 =	simm.s32 $0x0;
	s20 =	sshll.u32 s4, $0x1;
	s4 =	sadd.s32 s21, s2  }
0x9d: {  	[timem:s6], [sflag:s22] =	dma.local [hbm:s4], s20  }
0x9e: {  	_ =	swait.ge [sflag:s22], s20  }
0x9f: {  	s3 =	ssub.s32 $0x0, s20;
	[sflag:s22] =	ssyncset.done $0x0  }
0xa0: {  	[sflag:s22] =	ssyncadd.s32 s3;
	_ =	sdelay $0x1  }
0xa1: {  	s23 =	simm.s32 $0x1B8B  }
0xa2: {  	_ =	swait.ge [sflag:s23], $0x1  }
0xa3: {  	[sflag:s23] =	ssyncset.done $0x0  }
0xa4: {  	s25 =	simm.s32 $0x1B8E;
	s24 =	sld [smem:$0x3FFE];
	[sflag:s23] =	ssyncadd.s32 $0xFFFFFFFF  }
0xa5: {  	s26 =	simm.s32 $execute0_lowered;
	[smem:$0x3FD2] =	sst s25  }
0xa6: {  	s4 =	sshll.u32 s26, $0x1;
	_ =	strace $0x80000049;
	[dreg:$0x1] =	wrdreg $0xFFFFFFFF  }
0xa7: {  	s28 =	simm.s32 $_size_execute0_lowered;
	s2 =	sadd.s32 s2, s4;
	[dreg:$0x0] =	wrdreg $0x0  }
0xa8: {  	s4 =	sshll.u32 s28, $0x1;
	[dreg:$0x2] =	wrdreg s2  }
0xa9: {  	[dreg:$0x3] =	wrdreg s4  }
0xaa: {  	[dreg:$0x4] =	wrdreg $0xC0  }
0xab: {  	_ =	task [dreg:s6], $0x5FFFF  }
0xac: {  	[dreg:$0x1] =	wrdreg $0xFFFFFFFF  }
0xad: {  	[dreg:$0x0] =	wrdreg $0x60  }
0xae: {  	[dreg:$0x2] =	wrdreg s24  }
0xaf: {  	[dreg:$0x3] =	wrdreg $0x80800  }
0xb0: {  	[dreg:$0x4] =	wrdreg $0x7E000  }
0xb1: {  	[dreg:$0x5] =	wrdreg $0x9  }
0xb2: {  	_ =	task.clear_ibuf [dreg:s6], $0x6FFFF;
	_ =	strace $0x90000049  }
0xb3: {  	s29 =	simm.s32 $0x9;
	_ =	strace $0x8000004B  }
0xb4: {  	_ =	swait.ge [sflag:s29], $0x1  }
0xb5: {  	[sflag:s29] =	ssyncadd.s32 $0xFFFFFFFF  }
0xb6: {  	_ =	strace $0x9000004B  }
0xb7: {  	_ =	sfence  }
0xb8: {  	s30 =	sld [smem:$0x0];
	_ =	sdelay $0x2  }
0xb9: {  	s31 =	sshll.u32 s1, $0xD;
	s1 =	sshrl.u32 s1, $0x2  }
0xba: {  	s3 =	sand.u32 $0x4000, s31;
	s1 =	sadd.s32 s1, s30  }
0xbb: {  	s0 =	sor.u32 s3, s0;
	s1 =	sshll.u32 s1, $0x11  }
0xbc: {  	s0 =	sor.u32 s1, s0  }
0xbd: {  	s0 =	sadd.s32 $0x8F2B, s0  }
0xbe: {  	[sflag:s0] =	ssyncadd.remote.s32 $0x1  }
0xbf: {  	_ =	sfence.sel $0xFFFF  }
0xc0: {  	[dreg:$0x0] =	wrdreg $0xFFFFFFFF;
	(pc) =	sbr.abs _section_cstart, $3  }
0xc1: {  	[dreg:$0x1] =	wrdreg $0xFFFFFFFF  }
0xc2: {  	_ =	task.clear_ibuf [dreg:s6], $0x2FFFF;
	_ =	strace $0x9FFFFFFF  }
0xc3: {  	(tm) =	ssettm $0x7FFFFFFF  }
tec
execute0_lowered:
.L_overlay_start_1:
0x0: {  	(tag) =	ssettag $0x1  }
0x1: {  	s6 =	rddreg [dreg:$0x0]  }
0x2: {  	s2 =	rddreg [dreg:$0x1]  }
0x3: {  	s0 =	srdreg.scid;
	s3 =	rddreg [dreg:$0x2];
	s4 =	simm.s32 $0x0  }
0x4: {  	s17 =	simm.s32 $0x80;
	s18 =	simm.s32 $0x100;
	s19 =	simm.s32 $0x280  }
0x5: {  	s20 =	simm.s32 $0x500;
	s21 =	simm.s32 $0x5;
	s22 =	simm.s32 $0x2  }
0x6: {  	s23 =	simm.s32 $0x1;
	s24 =	simm.s32 $0x3;
	s25 =	simm.s32 $0x4  }
0x7: {  	s26 =	simm.s32 $0x0;
	s5 =	sand.u32 $0x1, s0;
	s0 =	stileid.u32  }
0x8: {  	[smem:$0x7FF] =	sst s4;
	s1 =	sshll.u32 s5, $0x4;
	s29 =	smul.u32 $0x500, s0  }
0x9: {  	s9 =	sshll.u32 s5, $0x7;
	s5 =	ssub.s32 $0x2, s5;
	s13 =	smul.u32 $0x280, s0  }
0xa: {  	s16 =	sor.u32 s0, s1;
	s1 =	rddreg [dreg:$0x3];
	_ =	strace $0x8000004A  }
0xb: {  	s31 =	sshrl.u32 s5, $0x1;
	s7 =	smul.u32 $0x4E, s16;
	s8 =	smin.u32 s16, $0x4  }
0xc: {  	s30 =	sor.u32 s9, s29;
	s15 =	ssub.s32 s5, s31;
	p0 =	slt.u32 s16, $0x4  }
0xd: {  	s5 =	simm.s32 $0x4F;
	s12 =	sadd.s32 s13, s2;
	s13 =	sadd.s32 s13, s3  }
0xe: {  	s5 =	simm.s32 @!p0 $0x4E;
	s15 =	smax.u32 s15, $0x1;
	s7 =	sadd.s32 s8, s7  }
0xf: {  	p0 =	sgt.u32 s16, $0x3;
	s16 =	simm.s32 $0x2F00;
	s7 =	sshll.u32 s7, $0x4  }
0x10: {  	s8 =	sshrl.u32 s29, $0x3;
	s10 =	sadd.s32 s7, s6;
	s7 =	sshrl.u32 s30, $0x3  }
0x11: {  	s11 =	sadd.s32 s8, s6;
	s14 =	sadd.s32 s7, s6;
	s6 =	sadd.s32 $0xB240, s10  }
0x12: {  	s7 =	sadd.s32 $0x1600, s10;
	s8 =	sadd.s32 $0xB720, s10;
	s9 =	sadd.s32 $0x1AE0, s10  }
0x13: {  	v0 =	vimm.f32 $0.0e+00;
	s10 =	sadd.s32 $0x15000, s11;
	s11 =	sadd.s32 $0x15010, s11;
	s14 =	sadd.s32 $0x15A00, s14  }
.LBB2_1:
0x14: {  	[tilespmem:s16], [sflag:$0x1] =	stream.linear.gather [hbm4b:s6+s4], $0x2700, $0x38;
	[tilespmem:$0x8300] =	vst v63  }
0x15: {  	s28 =	simm.s32 @p0 $0x0;
	s29 =	simm.s32 @p0 $0x5680  }
0x16: {  	[tilespmem:s29], [sflag:$0x1] =	stream.linear.gather @p0 [hbm4b:s7+s28], $0x2700, $0x38;
	[tilespmem:$0x8300] =	vst v63  }
0x17: {  	s28 =	simm.s32 @!p0 $0x0;
	s29 =	simm.s32 @!p0 $0x5600  }
0x18: {  	[tilespmem:s29], [sflag:$0x1] =	stream.linear.gather @!p0 [hbm4b:s8+s28], $0x80, $0x38;
	[tilespmem:$0x8300] =	vst v63  }
0x19: {  	s29 =	simm.s32 @!p0 $0x5680  }
0x1a: {  	[tilespmem:s29], [sflag:$0x1] =	stream.linear.gather @!p0 [hbm4b:s7+s28], $0x2700, $0x38;
	[tilespmem:$0x8300] =	vst v63  }
0x1b: {  	s29 =	simm.s32 @!p0 $0x7D80  }
0x1c: {  	[tilespmem:s29], [sflag:$0x1] =	stream.linear.gather @!p0 [hbm4b:s9+s28], $0x80, $0x38;
	[tilespmem:$0x8300] =	vst v63  }
0x1d: {  	_ = 	snop  }
0x1e: {  	[tilespmem:s19], [sflag:$0x2] =	stream.strided.gather [hbm4b:s10+s17], $0x280, s18, s17, $0x38;
	[tilespmem:$0x8300] =	vst v63  }
0x1f: {  	_ = 	snop  }
0x20: {  	[tilespmem:s20], [sflag:$0x2] =	stream.strided.gather [hbm4b:s11+s17], $0x280, s18, s17, $0x38;
	[tilespmem:$0x8300] =	vst v63  }
0x21: {  	[tilespmem:$0x0] =	vst v0  }
0x22: {  	[tilespmem:$0x10] =	vst v0  }
0x23: {  	[tilespmem:$0x20] =	vst v0  }
0x24: {  	[tilespmem:$0x30] =	vst v0  }
0x25: {  	[tilespmem:$0x40] =	vst v0  }
0x26: {  	[tilespmem:$0x50] =	vst v0  }
0x27: {  	[tilespmem:$0x60] =	vst v0  }
0x28: {  	[tilespmem:$0x70] =	vst v0  }
0x29: {  	[tilespmem:$0x80] =	vst v0  }
0x2a: {  	[tilespmem:$0x90] =	vst v0  }
0x2b: {  	[tilespmem:$0xA0] =	vst v0  }
0x2c: {  	[tilespmem:$0xB0] =	vst v0  }
0x2d: {  	[tilespmem:$0xC0] =	vst v0  }
0x2e: {  	[tilespmem:$0xD0] =	vst v0  }
0x2f: {  	[tilespmem:$0xE0] =	vst v0  }
0x30: {  	[tilespmem:$0xF0] =	vst v0  }
0x31: {  	[tilespmem:$0x100] =	vst v0  }
0x32: {  	[tilespmem:$0x110] =	vst v0  }
0x33: {  	[tilespmem:$0x120] =	vst v0  }
0x34: {  	[tilespmem:$0x130] =	vst v0  }
0x35: {  	[tilespmem:$0x140] =	vst v0  }
0x36: {  	[tilespmem:$0x150] =	vst v0  }
0x37: {  	[tilespmem:$0x160] =	vst v0  }
0x38: {  	[tilespmem:$0x170] =	vst v0  }
0x39: {  	[tilespmem:$0x180] =	vst v0  }
0x3a: {  	[tilespmem:$0x190] =	vst v0  }
0x3b: {  	[tilespmem:$0x1A0] =	vst v0  }
0x3c: {  	[tilespmem:$0x1B0] =	vst v0  }
0x3d: {  	[tilespmem:$0x1C0] =	vst v0  }
0x3e: {  	[tilespmem:$0x1D0] =	vst v0  }
0x3f: {  	[tilespmem:$0x1E0] =	vst v0  }
0x40: {  	[tilespmem:$0x1F0] =	vst v0  }
0x41: {  	[tilespmem:$0x200] =	vst v0  }
0x42: {  	[tilespmem:$0x210] =	vst v0  }
0x43: {  	[tilespmem:$0x220] =	vst v0  }
0x44: {  	[tilespmem:$0x230] =	vst v0  }
0x45: {  	[tilespmem:$0x240] =	vst v0  }
0x46: {  	[tilespmem:$0x250] =	vst v0  }
0x47: {  	[tilespmem:$0x260] =	vst v0  }
0x48: {  	[tilespmem:$0x270] =	vst v0  }
0x49: {  	[spmem:s12] =	stream.linear.scatter [tilespmem:s4], [sflag:$0x5], $0x280, $0x38;
	[tilespmem:$0x8300] =	vst v63  }
0x4a: {  	_ =	swait.ge [sflag:s21], $0x280  }
0x4b: {  	[sflag:s21] =	ssyncset.done $0x0  }
0x4c: {  	[sflag:s21] =	ssyncadd.s32 $0xFFFFFD80  }
0x4d: {  	_ =	swait.ge [sflag:s22], $0x280  }
0x4e: {  	[sflag:s22] =	ssyncset.done $0x0  }
0x4f: {  	[sflag:s22] =	ssyncadd.s32 $0xFFFFFD80  }
0x50: {  	_ =	swait.ge [sflag:s22], $0x280  }
0x51: {  	[sflag:s22] =	ssyncset.done $0x0  }
0x52: {  	[sflag:s22] =	ssyncadd.s32 $0xFFFFFD80  }
0x53: {  	v1 =	vld [tilespmem:$0x280]  }
0x54: {  	v2 =	vld [tilespmem:$0x500]  }
0x55: {  	v3 =	vld [tilespmem:$0x290]  }
0x56: {  	v4 =	vld [tilespmem:$0x510]  }
0x57: {  	v5 =	vld [tilespmem:$0x2A0]  }
0x58: {  	v6 =	vld [tilespmem:$0x520]  }
0x59: {  	v7 =	vld [tilespmem:$0x2B0]  }
0x5a: {  	v8 =	vld [tilespmem:$0x530]  }
0x5b: {  	v9 =	vld [tilespmem:$0x2C0]  }
0x5c: {  	v10 =	vld [tilespmem:$0x540]  }
0x5d: {  	v11 =	vld [tilespmem:$0x2D0]  }
0x5e: {  	v12 =	vld [tilespmem:$0x550]  }
0x5f: {  	v13 =	vld [tilespmem:$0x2E0]  }
0x60: {  	v14 =	vld [tilespmem:$0x560]  }
0x61: {  	v15 =	vld [tilespmem:$0x2F0]  }
0x62: {  	v16 =	vld [tilespmem:$0x570]  }
0x63: {  	v17 =	vld [tilespmem:$0x300]  }
0x64: {  	v18 =	vld [tilespmem:$0x580]  }
0x65: {  	v19 =	vld [tilespmem:$0x310]  }
0x66: {  	v20 =	vld [tilespmem:$0x590]  }
0x67: {  	v21 =	vld [tilespmem:$0x320]  }
0x68: {  	v22 =	vld [tilespmem:$0x5A0]  }
0x69: {  	v23 =	vld [tilespmem:$0x330]  }
0x6a: {  	v24 =	vld [tilespmem:$0x5B0]  }
0x6b: {  	v25 =	vld [tilespmem:$0x340]  }
0x6c: {  	v26 =	vld [tilespmem:$0x5C0]  }
0x6d: {  	v27 =	vld [tilespmem:$0x350]  }
0x6e: {  	v28 =	vld [tilespmem:$0x5D0]  }
0x6f: {  	v29 =	vld [tilespmem:$0x360]  }
0x70: {  	v30 =	vld [tilespmem:$0x5E0]  }
0x71: {  	v31 =	vld [tilespmem:$0x370]  }
0x72: {  	v32 =	vld [tilespmem:$0x5F0]  }
0x73: {  	v33 =	vld [tilespmem:$0x380]  }
0x74: {  	v34 =	vld [tilespmem:$0x600]  }
0x75: {  	v35 =	vld [tilespmem:$0x390]  }
0x76: {  	v36 =	vld [tilespmem:$0x610]  }
0x77: {  	v37 =	vld [tilespmem:$0x3A0]  }
0x78: {  	v38 =	vld [tilespmem:$0x620]  }
0x79: {  	v39 =	vld [tilespmem:$0x3B0]  }
0x7a: {  	v40 =	vld [tilespmem:$0x630]  }
0x7b: {  	v41 =	vld [tilespmem:$0x3C0]  }
0x7c: {  	v42 =	vld [tilespmem:$0x640]  }
0x7d: {  	v43 =	vld [tilespmem:$0x3D0]  }
0x7e: {  	v44 =	vld [tilespmem:$0x650]  }
0x7f: {  	v45 =	vld [tilespmem:$0x3E0];
	v1 =	vadd.f32 v2, v1  }
0x80: {  	v47 =	vld [tilespmem:$0x450];
	v3 =	vadd.f32 v4, v3  }
0x81: {  	v50 =	vld [tilespmem:$0x6D0];
	v5 =	vadd.f32 v6, v5;
	v63 =	vadd.f32 v10, v9;
	v1 =	vmax.f32 v1, $1.000000000e+00  }
0x82: {  	v52 =	vld [tilespmem:$0x460];
	(erf) = vrcp.f32 v1;
	v1 =	vmax.f32 v3, $1.000000000e+00;
	v3 =	vadd.f32 v8, v7  }
0x83: {  	v55 =	vld [tilespmem:$0x6E0];
	v14 =	vadd.f32 v14, v13;
	(erf) = vrcp.f32 v1;
	v1 =	vmax.f32 v5, $1.000000000e+00  }
0x84: {  	v57 =	vld [tilespmem:$0x470];
	(erf) = vrcp.f32 v1;
	v1 =	vmax.f32 v3, $1.000000000e+00;
	v3 =	vadd.f32 v12, v11  }
0x85: {  	v60 =	vld [tilespmem:$0x6F0];
	v18 =	vadd.f32 v18, v17;
	(erf) = vrcp.f32 v1;
	v1 =	vmax.f32 v63, $1.000000000e+00  }
0x86: {  	v62 =	vld [tilespmem:$0x480];
	(erf) = vrcp.f32 v1;
	v1 =	vmax.f32 v3, $1.000000000e+00;
	v3 =	vadd.f32 v16, v15  }
0x87: {  	v2 =	vld [tilespmem:$0x660];
	v22 =	vadd.f32 v22, v21;
	(erf) = vrcp.f32 v1;
	v1 =	vmax.f32 v14, $1.000000000e+00  }
0x88: {  	v4 =	vld [tilespmem:$0x3F0];
	(erf) = vrcp.f32 v1;
	v1 =	vmax.f32 v3, $1.000000000e+00;
	v3 =	vadd.f32 v20, v19  }
0x89: {  	v6 =	vld [tilespmem:$0x670];
	v26 =	vadd.f32 v26, v25;
	(erf) = vrcp.f32 v1;
	v1 =	vmax.f32 v18, $1.000000000e+00  }
0x8a: {  	v9 =	vld [tilespmem:$0x410];
	(erf) = vrcp.f32 v1;
	v1 =	vmax.f32 v3, $1.000000000e+00;
	v3 =	vadd.f32 v24, v23  }
0x8b: {  	v10 =	vld [tilespmem:$0x690];
	v49 =	vadd.f32 v30, v29;
	v24 =	vpop (erf);
	(erf) = vrcp.f32 v1;
	v1 =	vmax.f32 v22, $1.000000000e+00  }
0x8c: {  	v13 =	vld [tilespmem:$0x430];
	v46 =	vpop (erf);
	(erf) = vrcp.f32 v1;
	v1 =	vmax.f32 v3, $1.000000000e+00;
	v3 =	vadd.f32 v28, v27  }
0x8d: {  	v17 =	vld [tilespmem:$0x6C0];
	v54 =	vadd.f32 v34, v33;
	v48 =	vpop (erf);
	(erf) = vrcp.f32 v1;
	v1 =	vmax.f32 v26, $1.000000000e+00  }
0x8e: {  	v29 =	vld [tilespmem:$0x700];
	[tilespmem:$0x280] =	vst v24;
	v51 =	vpop (erf);
	(erf) = vrcp.f32 v1;
	v1 =	vmax.f32 v3, $1.000000000e+00;
	v3 =	vadd.f32 v32, v31  }
0x8f: {  	v59 =	vadd.f32 v38, v37;
	v33 =	vld [tilespmem:$0x710];
	[tilespmem:$0x290] =	vst v46;
	v53 =	vpop (erf);
	(erf) = vrcp.f32 v1;
	v1 =	vmax.f32 v49, $1.000000000e+00  }
0x90: {  	v37 =	vld [tilespmem:$0x720];
	[tilespmem:$0x2A0] =	vst v48;
	v56 =	vpop (erf);
	(erf) = vrcp.f32 v1;
	v1 =	vmax.f32 v3, $1.000000000e+00;
	v3 =	vadd.f32 v36, v35  }
0x91: {  	v7 =	vld [tilespmem:$0x400];
	[tilespmem:$0x2B0] =	vst v51;
	v58 =	vpop (erf);
	(erf) = vrcp.f32 v1;
	v1 =	vmax.f32 v54, $1.000000000e+00  }
0x92: {  	v8 =	vld [tilespmem:$0x680];
	[tilespmem:$0x2C0] =	vst v53;
	v61 =	vpop (erf);
	(erf) = vrcp.f32 v1;
	v1 =	vmax.f32 v3, $1.000000000e+00;
	v3 =	vadd.f32 v40, v39  }
0x93: {  	v11 =	vld [tilespmem:$0x420];
	v28 =	vadd.f32 v42, v41;
	[tilespmem:$0x2D0] =	vst v56;
	v63 =	vpop (erf);
	(erf) = vrcp.f32 v1;
	v1 =	vmax.f32 v59, $1.000000000e+00  }
0x94: {  	v12 =	vld [tilespmem:$0x6A0];
	[tilespmem:$0x2E0] =	vst v58;
	v30 =	vpop (erf);
	(erf) = vrcp.f32 v1;
	v1 =	vmax.f32 v3, $1.000000000e+00;
	v3 =	vadd.f32 v44, v43  }
0x95: {  	v2 =	vadd.f32 v2, v45;
	v14 =	vld [tilespmem:$0x6B0];
	[tilespmem:$0x2F0] =	vst v61;
	v32 =	vpop (erf);
	(erf) = vrcp.f32 v1;
	v1 =	vmax.f32 v28, $1.000000000e+00  }
0x96: {  	v15 =	vld [tilespmem:$0x440];
	[tilespmem:$0x300] =	vst v63;
	v34 =	vpop (erf);
	(erf) = vrcp.f32 v1;
	v1 =	vmax.f32 v3, $1.000000000e+00;
	v3 =	vadd.f32 v6, v4  }
0x97: {  	v45 =	vld [tilespmem:$0x740];
	[tilespmem:$0x310] =	vst v30;
	v36 =	vpop (erf);
	(erf) = vrcp.f32 v1;
	v1 =	vmax.f32 v2, $1.000000000e+00;
	v2 =	vadd.f32 v8, v7  }
0x98: {  	v41 =	vld [tilespmem:$0x730];
	[tilespmem:$0x320] =	vst v32;
	v38 =	vpop (erf);
	(erf) = vrcp.f32 v1;
	v1 =	vmax.f32 v3, $1.000000000e+00;
	v3 =	vadd.f32 v10, v9  }
0x99: {  	v31 =	vld [tilespmem:$0x490];
	[tilespmem:$0x330] =	vst v34;
	v40 =	vpop (erf);
	(erf) = vrcp.f32 v1;
	v1 =	vmax.f32 v2, $1.000000000e+00;
	v2 =	vadd.f32 v12, v11  }
0x9a: {  	v49 =	vld [tilespmem:$0x750];
	[tilespmem:$0x340] =	vst v36;
	v42 =	vpop (erf);
	(erf) = vrcp.f32 v1;
	v1 =	vmax.f32 v3, $1.000000000e+00;
	v3 =	vadd.f32 v14, v13  }
0x9b: {  	v51 =	vld [tilespmem:$0x4E0];
	[tilespmem:$0x350] =	vst v38;
	v44 =	vpop (erf);
	(erf) = vrcp.f32 v1;
	v1 =	vmax.f32 v2, $1.000000000e+00;
	v2 =	vadd.f32 v17, v15  }
0x9c: {  	v35 =	vld [tilespmem:$0x4A0];
	[tilespmem:$0x360] =	vst v40;
	v46 =	vpop (erf);
	(erf) = vrcp.f32 v1;
	v1 =	vmax.f32 v3, $1.000000000e+00;
	v3 =	vadd.f32 v50, v47  }
0x9d: {  	v39 =	vld [tilespmem:$0x4B0];
	[tilespmem:$0x370] =	vst v42;
	v48 =	vpop (erf);
	(erf) = vrcp.f32 v1;
	v1 =	vmax.f32 v2, $1.000000000e+00;
	v2 =	vadd.f32 v55, v52  }
0x9e: {  	v43 =	vld [tilespmem:$0x4C0];
	[tilespmem:$0x380] =	vst v44;
	v50 =	vpop (erf);
	(erf) = vrcp.f32 v1;
	v1 =	vmax.f32 v3, $1.000000000e+00;
	v3 =	vadd.f32 v60, v57  }
0x9f: {  	v47 =	vld [tilespmem:$0x4D0];
	[tilespmem:$0x390] =	vst v46;
	v52 =	vpop (erf);
	(erf) = vrcp.f32 v1;
	v1 =	vmax.f32 v2, $1.000000000e+00;
	v2 =	vadd.f32 v29, v62  }
0xa0: {  	v53 =	vld [tilespmem:$0x760];
	[tilespmem:$0x3A0] =	vst v48;
	v54 =	vpop (erf);
	(erf) = vrcp.f32 v1;
	v1 =	vmax.f32 v3, $1.000000000e+00;
	v3 =	vadd.f32 v33, v31  }
0xa1: {  	v55 =	vld [tilespmem:$0x4F0];
	[tilespmem:$0x3B0] =	vst v50;
	v56 =	vpop (erf);
	(erf) = vrcp.f32 v1;
	v1 =	vmax.f32 v2, $1.000000000e+00;
	v2 =	vadd.f32 v37, v35  }
0xa2: {  	v57 =	vld [tilespmem:$0x770];
	[tilespmem:$0x3C0] =	vst v52;
	v58 =	vpop (erf);
	(erf) = vrcp.f32 v1;
	v1 =	vadd.f32 v41, v39;
	v3 =	vmax.f32 v3, $1.000000000e+00  }
0xa3: {  	[tilespmem:$0x3D0] =	vst v54;
	v59 =	vpop (erf);
	(erf) = vrcp.f32 v3;
	v3 =	vadd.f32 v45, v43;
	v2 =	vmax.f32 v2, $1.000000000e+00  }
0xa4: {  	[tilespmem:$0x3E0] =	vst v56;
	v60 =	vpop (erf);
	(erf) = vrcp.f32 v2;
	v2 =	vadd.f32 v49, v47;
	v1 =	vmax.f32 v1, $1.000000000e+00  }
0xa5: {  	[tilespmem:$0x3F0] =	vst v58;
	v61 =	vpop (erf);
	(erf) = vrcp.f32 v1  }
0xa6: {  	[tilespmem:$0x400] =	vst v59;
	v1 =	vadd.f32 v53, v51;
	v3 =	vmax.f32 v3, $1.000000000e+00;
	v2 =	vmax.f32 v2, $1.000000000e+00  }
0xa7: {  	[tilespmem:$0x410] =	vst v60;
	v62 =	vpop (erf);
	(erf) = vrcp.f32 v3;
	v3 =	vadd.f32 v57, v55  }
0xa8: {  	[tilespmem:$0x420] =	vst v61;
	v63 =	vpop (erf);
	(erf) = vrcp.f32 v2;
	v1 =	vmax.f32 v1, $1.000000000e+00  }
0xa9: {  	[tilespmem:$0x430] =	vst v62;
	v2 =	vpop (erf);
	(erf) = vrcp.f32 v1;
	v1 =	vmax.f32 v3, $1.000000000e+00  }
0xaa: {  	[tilespmem:$0x440] =	vst v63  }
0xab: {  	[tilespmem:$0x450] =	vst v2;
	v2 =	vpop (erf);
	(erf) = vrcp.f32 v1  }
0xac: {  	[tilespmem:$0x460] =	vst v2;
	v1 =	vpop (erf)  }
0xad: {  	v2 =	vpop (erf);
	[tilespmem:$0x470] =	vst v1  }
0xae: {  	v1 =	vpop (erf);
	[tilespmem:$0x480] =	vst v2  }
0xaf: {  	v2 =	vpop (erf);
	[tilespmem:$0x490] =	vst v1  }
0xb0: {  	v1 =	vpop (erf);
	[tilespmem:$0x4A0] =	vst v2  }
0xb1: {  	v2 =	vpop (erf);
	[tilespmem:$0x4B0] =	vst v1  }
0xb2: {  	v1 =	vpop (erf);
	[tilespmem:$0x4C0] =	vst v2  }
0xb3: {  	v2 =	vpop (erf);
	[tilespmem:$0x4D0] =	vst v1  }
0xb4: {  	[tilespmem:$0x4E0] =	vst v2;
	v1 =	vpop (erf)  }
0xb5: {  	[tilespmem:$0x4F0] =	vst v1  }
0xb6: {  	[spmem:s13] =	stream.linear.scatter [tilespmem:s19], [sflag:$0x5], $0x280, $0x38;
	[tilespmem:$0x8300] =	vst v63  }
0xb7: {  	_ =	swait.ge [sflag:s21], $0x280  }
0xb8: {  	[sflag:s21] =	ssyncset.done $0x0  }
0xb9: {  	[sflag:s21] =	ssyncadd.s32 $0xFFFFFD80  }
0xba: {  	_ =	swait.ge [sflag:s23], $0x2700  }
0xbb: {  	[sflag:s23] =	ssyncset.done $0x0  }
0xbc: {  	s28 =	simm.s32 @p0 $0x1;
	[sflag:s23] =	ssyncadd.s32 $0xFFFFD900  }
0xbd: {  	_ =	swait.ge @p0 [sflag:s28], $0x2700  }
0xbe: {  	[sflag:s28] =	ssyncset.done @p0 $0x0  }
0xbf: {  	[sflag:s28] =	ssyncadd.s32 @p0 $0xFFFFD900;
	s28 =	simm.s32 @!p0 $0x1  }
0xc0: {  	_ =	swait.ge @!p0 [sflag:s28], $0x80  }
0xc1: {  	[sflag:s28] =	ssyncset.done @!p0 $0x0  }
0xc2: {  	[sflag:s28] =	ssyncadd.s32 @!p0 $0xFFFFFF80  }
0xc3: {  	_ =	swait.ge @!p0 [sflag:s28], $0x2700  }
0xc4: {  	[sflag:s28] =	ssyncset.done @!p0 $0x0  }
0xc5: {  	[sflag:s28] =	ssyncadd.s32 @!p0 $0xFFFFD900  }
0xc6: {  	_ =	swait.ge @!p0 [sflag:s28], $0x80  }
0xc7: {  	[sflag:s28] =	ssyncset.done @!p0 $0x0  }
0xc8: {  	s30 =	simm.s32 $0x780;
	s31 =	smov.u32 s5;
	[sflag:s28] =	ssyncadd.s32 @!p0 $0xFFFFFF80  }
0xc9: {  	s29 =	simm.s32 $0x2F00;
	s28 =	simm.s32 $0x780;
	[bflag:$0x0] =	sbarrier.arrive $0xFFFF  }
.LBB2_2:
0xca: {  	p1 =	sne.s32 s31, $0x1  }
.Ltmp0:
0xcb: {  	_ = 	snop;
	(pc) =	sbr.rel @p1 .LBB2_2-.Ltmp0, $3  }
0xcc: {  	_ =	sdelay $0x1  }
0xcd: {  	[tilespmem:s30], [sflag:$0x3] =	stream.indirect.gather [spmem:s3], $0x1, s29, s17, $0xb8;
	[tilespmem:$0x8300] =	vst v63  }
0xce: {  	s30 =	sadd.s32 $0x80, s30;
	s29 =	sadd.s32 $0x80, s29;
	s31 =	sadd.s32 $0xFFFFFFFF, s31  }
0xcf: {  	p1 =	sne.s32 s5, $0x1  }
.Ltmp1:
0xd0: {  	_ = 	snop;
	(pc) =	sbr.rel @!p1 .LBB2_5-.Ltmp1, $4  }
0xd1: {  	_ =	swait.ge [sflag:s24], $0x80  }
0xd2: {  	[sflag:s24] =	ssyncset.done $0x0  }
0xd3: {  	s29 =	simm.s32 $0x5680;
	s30 =	sadd.s32 $0xFFFFFFFF, s5;
	[sflag:s24] =	ssyncadd.s32 $0xFFFFFF80  }
0xd4: {  	[spmem:s2] =	stream.indirect.scatter.add.f32 [tilespmem:s28], [sflag:$0x4], $0x1, s29, s17, $0xb8;
	[tilespmem:$0x8300] =	vst v63  }
.LBB2_4:
0xd5: {  	_ =	swait.ge [sflag:s24], $0x80;
	p2 =	sne.s32 s30, $0x1  }
.Ltmp2:
0xd6: {  	(pc) =	sbr.rel @p2 .LBB2_4-.Ltmp2, $4  }
0xd7: {  	_ = 	snop  }
0xd8: {  	s28 =	sadd.s32 $0x80, s28;
	s29 =	sadd.s32 $0x80, s29;
	[sflag:s24] =	ssyncset.done $0x0  }
0xd9: {  	s30 =	sadd.s32 $0xFFFFFFFF, s30;
	[sflag:s24] =	ssyncadd.s32 $0xFFFFFF80  }
0xda: {  	[spmem:s2] =	stream.indirect.scatter.add.f32 [tilespmem:s28], [sflag:$0x4], $0x1, s29, s17, $0xb8;
	[tilespmem:$0x8300] =	vst v63  }
.LBB2_5:
.Ltmp3:
0xdb: {  	(pc) =	sbr.rel @!p1 .LBB2_7-.Ltmp3, $3  }
0xdc: {  	_ =	sdelay $0x1  }
0xdd: {  	_ =	swait.ge [sflag:s25], $0x80  }
0xde: {  	s28 =	sadd.s32 $0xFFFFFFFF, s5;
	[sflag:s25] =	ssyncset.done $0x0  }
.LBB2_6:
0xdf: {  	p1 =	sne.s32 s28, $0x1;
	s28 =	sadd.s32 $0xFFFFFFFF, s28;
	[sflag:s25] =	ssyncadd.s32 $0xFFFFFF80  }
.Ltmp4:
0xe0: {  	(pc) =	sbr.rel @p1 .LBB2_6-.Ltmp4, $3  }
0xe1: {  	_ =	sdelay $0x1  }
0xe2: {  	_ =	swait.ge [sflag:s25], $0x80  }
0xe3: {  	[sflag:s25] =	ssyncset.done $0x0  }
.LBB2_7:
0xe4: {  	[sflag:s25] =	ssyncadd.s32 $0xFFFFFF80  }
0xe5: {  	[bflag:$0x0] =	sbarrier.arrive $0xFFFF  }
0xe6: {  	[tilespmem:s4], [sflag:$0x5] =	stream.linear.gather [spmem:s12], $0x280, $0x38;
	[tilespmem:$0x8300] =	vst v63  }
0xe7: {  	s26 =	sadd.s32 $0x1, s26;
	_ =	swait.ge [sflag:s21], $0x280  }
0xe8: {  	p1 =	sne.s32 s26, s15;
	[sflag:s21] =	ssyncset.done $0x0  }
.Ltmp5:
0xe9: {  	[sflag:s21] =	ssyncadd.s32 $0xFFFFFD80;
	(pc) =	sbr.rel @p1 .LBB2_1-.Ltmp5, $4  }
0xea: {  	[hbm4b:s14+s17] =	stream.strided.scatter [tilespmem:s4], [sflag:$0x5], $0x280, s18, s17, $0x38;
	[tilespmem:$0x8300] =	vst v63  }
0xeb: {  	_ =	swait.ge [sflag:s21], $0x280  }
0xec: {  	[sflag:s21] =	ssyncset.done $0x0  }
0xed: {  	[sflag:s21] =	ssyncadd.s32 $0xFFFFFD80  }
0xee: {  	_ =	sfence.sel $0x180000  }
0xef: {  	[bflag:$0x0] =	sbarrier.arrive $0xFFFF  }
0xf0: {  	p0 =	sne.s32 s0, $0x0;
	_ =	strace $0x9000004A  }
0xf1: {  	s0 =	sadd.s32 @!p0 $0x100000, s1;
	[bflag:$0x2] =	sbarrier.arrive $0xFFFF  }
0xf2: {  	[sflag:s0] =	ssyncadd.tile.s32 @!p0 $0x1;
	_ =	shalt  }
.Lfunc_end2:
_tile_overlayer_lowered:
.L_overlay_start_2:
0xf3: {  	(tag) =	ssettag $0x2  }
0xf4: {  	s0 =	rddreg [dreg:$0x0];
	s2 =	stileid.u32  }
0xf5: {  	s1 =	rddreg [dreg:$0x1];
	p0 =	sne.s32 s2, $0x0  }
0xf6: {  	s3 =	rddreg [dreg:$0x2];
	[bflag:$0x3] =	sbarrier.arrive $0xFFFF;
	s2 =	simm.s32 @!p0 $0x1C05  }
0xf7: {  	[timem:s3], [sflag:s2] =	dma.local @!p0 [hbm:s0], s1  }
0xf8: {  	s0 =	simm.s32 @!p0 $0x5  }
0xf9: {  	_ =	swait.ge @!p0 [sflag:s0], s1  }
0xfa: {  	s1 =	ssub.s32 @!p0 $0x0, s1;
	[sflag:s0] =	ssyncset.done @!p0 $0x0  }
0xfb: {  	[sflag:s0] =	ssyncadd.s32 @!p0 s1  }
0xfc: {  	[bflag:$0x3] =	sbarrier.arrive $0xFFFF  }
0xfd: {  	_ =	shalt  }

</sc_bundles>
